<compile_context>
chip_gen: v7x
topology: tpu7x:2x2x1
jax: 0.10.2.dev20260603
libtpu: 0.0.44.dev20260713+nightly
codegen_flags: <defaults>
</compile_context>

<pallas_src>
import functools

import jax
import jax.numpy as jnp
from jax import lax
from jax.experimental import pallas as pl
from jax.experimental.pallas import tpu as pltpu
from jax.experimental.pallas import tpu_sc as plsc

B, C, H, W = 4, 192, 24, 24
E, HID, CO = 8, 768, 192
N = B * H * W
BLK = 256
G = N // BLK + (E - 1)
CAP = G * BLK
CH = 128
NCH = N // CH
CP = 256


def _silu(x):
    return x * jax.nn.sigmoid(x)


def _front_kernel(x_hbm, dwt_ref, bn1g_ref, bn1b_ref, w1_ref, b1_ref,
                  w2t_ref, b2_ref, rw_ref, rb_ref,
                  yfp_ref, dst_ref, topp_ref, blke_ref, aux_ref,
                  xp_scr, xw_scr, dma_sem):
    cp = pltpu.make_async_copy(x_hbm, xp_scr.at[:, 1:1 + H, 8:8 + W, :],
                               dma_sem)
    cp.start()
    xp_scr[:, 0:1, :, :] = jnp.zeros((B, 1, W + 16, C), jnp.float32)
    xp_scr[:, H + 1:H + 2, :, :] = jnp.zeros((B, 1, W + 16, C), jnp.float32)
    xp_scr[:, :, 0:8, :] = jnp.zeros((B, H + 2, 8, C), jnp.float32)
    xp_scr[:, :, W + 8:W + 16, :] = jnp.zeros((B, H + 2, 8, C), jnp.float32)
    cp.wait()
    xp = xp_scr[...]
    y = None
    for dw in range(3):
        if dw == 1:
            xwv = xp[:, :, 8:8 + W, :]
        else:
            xw_scr[...] = xp[:, :, 7 + dw:7 + dw + W, :]
            xwv = xw_scr[...]
        for dh in range(3):
            tap = dwt_ref[dh, dw]
            t = xwv[:, dh:dh + H, :, :] * tap
            y = t if y is None else y + t
    yr = y.reshape(N, C)
    m = jnp.mean(yr, axis=0, keepdims=True)
    v = jnp.mean((yr - m) * (yr - m), axis=0, keepdims=True)
    y2 = (yr - m) * jax.lax.rsqrt(v + 1e-3) * bn1g_ref[...] + bn1b_ref[...]
    y2 = _silu(y2)
    dnt = (((1,), (1,)), ((), ()))
    s = jnp.mean(y2.reshape(B, N // B, C), axis=1)
    s = _silu(lax.dot_general(s, w1_ref[...], dnt,
                              preferred_element_type=jnp.float32)
              + b1_ref[...])
    s = jax.nn.sigmoid(jnp.dot(s, w2t_ref[...],
                               preferred_element_type=jnp.float32)
                       + b2_ref[...])
    srows = jnp.concatenate(
        [jnp.broadcast_to(s[b:b + 1], (N // B, C)) for b in range(B)],
        axis=0)
    yf = y2 * srows
    yfp_ref[:, :C] = yf
    logits = lax.dot_general(yf, rw_ref[...], dnt,
                             preferred_element_type=jnp.float32) + rb_ref[...]
    lmax = jnp.max(logits, axis=1, keepdims=True)
    ex = jnp.exp(logits - lmax)
    probs = ex / jnp.sum(ex, axis=1, keepdims=True)
    top_p = jnp.max(probs, axis=1, keepdims=True)
    lane = lax.broadcasted_iota(jnp.int32, (N, E), 1)
    top_i = jnp.min(jnp.where(probs == top_p, lane, E), axis=1,
                    keepdims=True)
    mask = (lane == top_i).astype(jnp.float32)
    counts = jnp.sum(mask, axis=0, keepdims=True)
    mean_probs = jnp.mean(probs, axis=0, keepdims=True)
    aux_ref[...] = (E * jnp.sum(mean_probs * counts * (1.0 / N))
                    ).reshape(1, 1)
    padded = jnp.floor((counts + (BLK - 1)) * (1.0 / BLK)) * BLK
    er = lax.broadcasted_iota(jnp.int32, (E, E), 0)
    ec = lax.broadcasted_iota(jnp.int32, (E, E), 1)
    tstrict = (er < ec).astype(jnp.float32)
    off = jnp.dot(padded, tstrict,
                  preferred_element_type=jnp.float32)
    off_end = off + padded
    gs = lax.broadcasted_iota(jnp.int32, (G, E), 0).astype(jnp.float32) * float(BLK)
    nfull = jnp.sum((off_end <= gs).astype(jnp.float32), axis=1,
                    keepdims=True)
    blke_ref[...] = jnp.minimum(nfull, float(E - 1)).astype(jnp.int32
                                                            ).reshape(G)
    rr = lax.broadcasted_iota(jnp.int32, (CH, CH), 0)
    rc = lax.broadcasted_iota(jnp.int32, (CH, CH), 1)
    ltri = (rr >= rc).astype(jnp.float32)
    tot = jnp.zeros((1, E), jnp.float32)
    cols = []
    for c in range(NCH):
        mblk = mask[c * CH:(c + 1) * CH, :]
        pos = jnp.dot(ltri, mblk,
                      preferred_element_type=jnp.float32) + tot
        cols.append(jnp.sum(mblk * (off + pos - 1.0), axis=1,
                            keepdims=True))
        tot = tot + jnp.sum(mblk, axis=0, keepdims=True)
    dmat = jnp.concatenate(cols, axis=1).T
    dsti = dmat.astype(jnp.int32)
    for c in range(NCH):
        dst_ref[pl.ds(c * CH, CH)] = dsti[c]
    topp_ref[...] = top_p


def _expert_kernel(blke_ref, xs_ref, w1_ref, g_ref, b_ref, w2t_ref, o_ref):
    xb = xs_ref[:, :C]
    h = jnp.dot(xb, w1_ref[0], preferred_element_type=jnp.float32)
    mu = jnp.mean(h, axis=1, keepdims=True)
    var = jnp.mean((h - mu) * (h - mu), axis=1, keepdims=True)
    h = (h - mu) * jax.lax.rsqrt(var + 1e-5) * g_ref[0] + b_ref[0]
    h = _silu(h)
    o_ref[:, :CO] = lax.dot_general(
        h, w2t_ref[0], (((1,), (1,)), ((), ())),
        preferred_element_type=jnp.float32)


def _bn2_kernel(et_ref, topp_ref, xt_ref, g_ref, b_ref, o_ref):
    sel = et_ref[:, :CO] * topp_ref[...]
    m2 = jnp.mean(sel, axis=0, keepdims=True)
    v2 = jnp.mean((sel - m2) * (sel - m2), axis=0, keepdims=True)
    o_ref[...] = ((sel - m2) * jax.lax.rsqrt(v2 + 1e-3) * g_ref[...]
                  + b_ref[...] + xt_ref[...])


def _sc_workers():
    info = plsc.get_sparse_core_info()
    return info.num_cores, info.num_subcores


def _sc_scatter(rows, idx, cap):
    n, d = rows.shape
    nc, ns = _sc_workers()
    per = n // (nc * ns)
    mesh = plsc.VectorSubcoreMesh(core_axis_name="c", subcore_axis_name="s")

    @functools.partial(
        pl.kernel, mesh=mesh,
        out_type=jax.ShapeDtypeStruct((cap, d), rows.dtype),
        scratch_types=[pltpu.VMEM((per,), jnp.int32),
                       pltpu.VMEM((per, d), rows.dtype),
                       pltpu.SemaphoreType.DMA,
                       pltpu.SemaphoreType.DMA],
    )
    def k(rows_hbm, idx_hbm, out_hbm, idx_v, rows_v, sem1, sem2):
        wid = lax.axis_index("s") * nc + lax.axis_index("c")
        base = wid * per
        hp = per // 2
        cp1 = pltpu.make_async_copy(idx_hbm.at[pl.ds(base, per)], idx_v, sem1)
        cp2 = pltpu.make_async_copy(rows_hbm.at[pl.ds(base, per)], rows_v,
                                    sem2)
        cp1.start()
        cp2.start()
        cp1.wait()
        cp2.wait()
        del hp
        pltpu.async_copy(rows_v, out_hbm.at[idx_v], sem1).wait()

    return k(rows, idx)


def _sc_gather(table, idx):
    n = idx.shape[0]
    d = table.shape[1]
    nc, ns = _sc_workers()
    per = n // (nc * ns)
    mesh = plsc.VectorSubcoreMesh(core_axis_name="c", subcore_axis_name="s")

    @functools.partial(
        pl.kernel, mesh=mesh,
        out_type=jax.ShapeDtypeStruct((n, d), table.dtype),
        scratch_types=[pltpu.VMEM((per,), jnp.int32),
                       pltpu.VMEM((per, d), table.dtype),
                       pltpu.SemaphoreType.DMA,
                       pltpu.SemaphoreType.DMA],
    )
    def k(table_hbm, idx_hbm, out_hbm, idx_v, rows_v, sem, sem2):
        wid = lax.axis_index("s") * nc + lax.axis_index("c")
        base = wid * per
        hp = 40
        pltpu.sync_copy(idx_hbm.at[pl.ds(base, per)], idx_v)
        g1 = pltpu.make_async_copy(table_hbm.at[idx_v.at[pl.ds(0, hp)]],
                                   rows_v.at[pl.ds(0, hp)], sem)
        g2 = pltpu.make_async_copy(table_hbm.at[idx_v.at[pl.ds(hp, per - hp)]],
                                   rows_v.at[pl.ds(hp, per - hp)], sem2)
        g1.start()
        g2.start()
        g1.wait()
        g2.wait()
        pltpu.sync_copy(rows_v, out_hbm.at[pl.ds(base, per)])

    return k(table, idx)


def kernel(x, dw_w, bn1_g, bn1_b, se_w1, se_b1, se_w2, se_b2, router_w,
           router_b, ew1, eln_g, eln_b, ew2, bn2_g, bn2_b):
    f32 = jnp.float32
    xt4 = jnp.transpose(x, (0, 2, 3, 1))

    yfp, dst1, top_p, blk_e1, aux = pl.pallas_call(
        _front_kernel,
        in_specs=[pl.BlockSpec(memory_space=pl.ANY)]
        + [pl.BlockSpec()] * 9,
        scratch_shapes=[pltpu.VMEM((B, H + 2, W + 16, C), f32),
                        pltpu.VMEM((B, H + 2, W, C), f32),
                        pltpu.SemaphoreType.DMA],
        out_shape=[jax.ShapeDtypeStruct((N, CP), f32),
                   jax.ShapeDtypeStruct((N,), jnp.int32),
                   jax.ShapeDtypeStruct((N, 1), f32),
                   jax.ShapeDtypeStruct((G,), jnp.int32),
                   jax.ShapeDtypeStruct((1, 1), f32)],
    )(xt4, jnp.transpose(dw_w, (1, 2, 3, 0)).reshape(3, 3, C),
      bn1_g.reshape(1, C), bn1_b.reshape(1, C),
      se_w1, se_b1.reshape(1, -1), se_w2.T, se_b2.reshape(1, C),
      router_w, router_b.reshape(1, E))

    xs = _sc_scatter(yfp, dst1, CAP)

    es = pl.pallas_call(
        _expert_kernel,
        grid_spec=pltpu.PrefetchScalarGridSpec(
            num_scalar_prefetch=1,
            grid=(G,),
            in_specs=[
                pl.BlockSpec((BLK, CP), lambda g, be: (g, 0)),
                pl.BlockSpec((1, C, HID), lambda g, be: (be[g], 0, 0)),
                pl.BlockSpec((1, 1, HID), lambda g, be: (be[g], 0, 0)),
                pl.BlockSpec((1, 1, HID), lambda g, be: (be[g], 0, 0)),
                pl.BlockSpec((1, CO, HID), lambda g, be: (be[g], 0, 0)),
            ],
            out_specs=pl.BlockSpec((BLK, CP), lambda g, be: (g, 0)),
        ),
        out_shape=jax.ShapeDtypeStruct((CAP, CP), f32),
    )(blk_e1, xs, ew1, eln_g.reshape(E, 1, HID),
      eln_b.reshape(E, 1, HID), jnp.swapaxes(ew2, 1, 2))

    et = _sc_gather(es, dst1)

    out_tok = pl.pallas_call(
        _bn2_kernel,
        out_shape=jax.ShapeDtypeStruct((N, CO), f32),
    )(et, top_p, xt4.reshape(N, C), bn2_g.reshape(1, CO),
      bn2_b.reshape(1, CO))

    out = jnp.transpose(out_tok.reshape(B, H, W, CO), (0, 3, 1, 2))
    return (out, aux.reshape(()))

# --- scband reference (transcript-rebuilt; emitter-appended) ---
"""Pipeline reference for scband-mo-elayer-54795192762999 (READ-ONLY COPY).

The authoritative reference and input builder live on the scoring server;
editing this copy changes nothing except your own understanding.
"""

import jax, jax.numpy as jnp
import numpy as np


def _silu(x):
    return x * jax.nn.sigmoid(x)


def setup_inputs(seed: int = 0):
    key = jax.random.key(seed)
    ks = jax.random.split(key, 8)
    B, C, H, W = 4, 192, 24, 24
    E, HID, CO, RED = 8, 768, 192, 48
    return {
        "x": jax.random.normal(ks[0], (B, C, H, W), dtype=jnp.float32),
        "dw_w": jax.random.normal(ks[1], (C, 1, 3, 3), dtype=jnp.float32) * 0.1,
        "bn1_g": jnp.ones((C,), jnp.float32),
        "bn1_b": jnp.zeros((C,), jnp.float32),
        "se_w1": jax.random.normal(ks[2], (RED, C), dtype=jnp.float32) * 0.05,
        "se_b1": jnp.zeros((RED,), jnp.float32),
        "se_w2": jax.random.normal(ks[3], (C, RED), dtype=jnp.float32) * 0.05,
        "se_b2": jnp.zeros((C,), jnp.float32),
        "router_w": jax.random.normal(ks[4], (E, C), dtype=jnp.float32) * 0.01,
        "router_b": jnp.zeros((E,), jnp.float32),
        "ew1": jax.random.normal(ks[5], (E, C, HID), dtype=jnp.float32) * 0.03,
        "eln_g": jnp.ones((E, HID), jnp.float32),
        "eln_b": jnp.zeros((E, HID), jnp.float32),
        "ew2": jax.random.normal(ks[6], (E, HID, CO), dtype=jnp.float32) * 0.03,
        "bn2_g": jnp.ones((CO,), jnp.float32),
        "bn2_b": jnp.zeros((CO,), jnp.float32),
    }


def reference(x, dw_w, bn1_g, bn1_b, se_w1, se_b1, se_w2, se_b2, router_w, router_b, ew1, eln_g, eln_b, ew2, bn2_g, bn2_b):
    B, C, H, W = x.shape
    E = router_w.shape[0]
    CO = ew2.shape[2]
    # depthwise conv + BN (train-mode batch stats) + SiLU
    y = jax.lax.conv_general_dilated(x, dw_w, (1, 1), ((1, 1), (1, 1)), feature_group_count=C, dimension_numbers=("NCHW", "OIHW", "NCHW"))
    m = y.mean(axis=(0, 2, 3))
    v = y.var(axis=(0, 2, 3))
    y = (y - m[None, :, None, None]) / jnp.sqrt(v + 1e-3)[None, :, None, None] * bn1_g[None, :, None, None] + bn1_b[None, :, None, None]
    y = _silu(y)
    # squeeze-excitation
    s = y.mean(axis=(2, 3))
    s = _silu(s @ se_w1.T + se_b1)
    s = jax.nn.sigmoid(s @ se_w2.T + se_b2)
    y = y * s[:, :, None, None]
    # router (1x1 conv) + softmax over expert dim
    logits = jnp.einsum("bchw,ec->behw", y, router_w) + router_b[None, :, None, None]
    probs = jax.nn.softmax(logits.astype(jnp.float32), axis=1)
    mean_probs = probs.mean(axis=(0, 2, 3))
    max_idx = jnp.argmax(probs, axis=1)
    mask = jax.nn.one_hot(max_idx, E, dtype=probs.dtype)  # [B,H,W,E]
    mean_mask = mask.mean(axis=(0, 1, 2))
    aux_loss = E * jnp.sum(mean_probs * mean_mask)
    # top-1 expert dispatch (dense all-expert compute + select, math-equivalent)
    N = B * H * W
    xf = jnp.transpose(y, (0, 2, 3, 1)).reshape(N, C)
    pf = jnp.transpose(probs, (0, 2, 3, 1)).reshape(N, E)
    top_p, top_i = jax.lax.top_k(pf, 1)
    h = jnp.einsum("nc,ech->neh", xf, ew1)
    mu = h.mean(axis=-1, keepdims=True)
    var = h.var(axis=-1, keepdims=True)
    h = (h - mu) / jnp.sqrt(var + 1e-5) * eln_g[None] + eln_b[None]
    h = _silu(h)
    oa = jnp.einsum("neh,eho->neo", h, ew2)
    sel = jnp.take_along_axis(oa, top_i[:, :, None], axis=1)[:, 0, :] * top_p
    out = jnp.transpose(sel.reshape(B, H, W, CO), (0, 3, 1, 2))
    # shared BN (train-mode batch stats)
    m2 = out.mean(axis=(0, 2, 3))
    v2 = out.var(axis=(0, 2, 3))
    out = (out - m2[None, :, None, None]) / jnp.sqrt(v2 + 1e-3)[None, :, None, None] * bn2_g[None, :, None, None] + bn2_b[None, :, None, None]
    # residual (stochastic depth with p=0.0 is identity)
    return (x + out, aux_loss)

if __name__ == "__main__":
    import jax
    _d = setup_inputs()
    print(jax.jit(kernel)(*tuple(_d.values())))

</pallas_src>

<mosaic_0001>
#map = affine_map<(d0, d1) -> (0, 0)>
#map1 = affine_map<(d0, d1) -> (0)>
module attributes {stable_mosaic.version = 14 : i64} {
  func.func @k(%arg0: i32, %arg1: i32, %arg2: memref<2304x256xf32, #tpu.memory_space<hbm>>, %arg3: memref<2304xi32, #tpu.memory_space<hbm>>, %arg4: memref<4096x256xf32, #tpu.memory_space<hbm>>, %arg5: memref<72xi32, #tpu.memory_space<vmem>>, %arg6: memref<72x256xf32, #tpu.memory_space<vmem>>, %arg7: memref<!tpu.dma_semaphore, #tpu.memory_space<semaphore_mem>>, %arg8: memref<!tpu.dma_semaphore, #tpu.memory_space<semaphore_mem>>) attributes {dimension_semantics = [#tpu.dimension_semantics<core_parallel>, #tpu.dimension_semantics<subcore_parallel>], iteration_bounds = array<i64: 2, 16>, scalar_prefetch = 0 : i64, scratch_operands = 4 : i64, tpu.core_type = #tpu.core_type<sc_vector_subcore>, window_params = [{transform_indices = #map}, {transform_indices = #map1}, {transform_indices = #map}]} {
    %mul3A = arith.constant 2 : i32
    %mul3A_0 = arith.muli %arg1, %mul3A : i32
    %add3A = arith.addi %mul3A_0, %arg0 : i32
    %mul3A_1 = arith.constant 72 : i32
    %mul3A_2 = arith.muli %add3A, %mul3A_1 : i32
    %dma_start3A = tpu.memref_slice %arg3[%mul3A_2] : memref<2304xi32, #tpu.memory_space<hbm>> -> memref<72xi32, #tpu.memory_space<hbm>>
    %dma_start3A_3 = tpu.memref_slice %arg3[%mul3A_2] : memref<2304xi32, #tpu.memory_space<hbm>> -> memref<72xi32, #tpu.memory_space<hbm>>
    tpu.enqueue_dma source(%dma_start3A_3 : memref<72xi32, #tpu.memory_space<hbm>>) target(%arg5 : memref<72xi32, #tpu.memory_space<vmem>>) target_semaphore(%arg7 : memref<!tpu.dma_semaphore, #tpu.memory_space<semaphore_mem>>)
    %dma_start3A_4 = arith.constant 0 : i32
    %dma_start3A_5 = tpu.memref_slice %arg2[%mul3A_2, %dma_start3A_4] : memref<2304x256xf32, #tpu.memory_space<hbm>> -> memref<72x256xf32, #tpu.memory_space<hbm>>
    %dma_start3A_6 = arith.constant 0 : i32
    %dma_start3A_7 = tpu.memref_slice %arg2[%mul3A_2, %dma_start3A_6] : memref<2304x256xf32, #tpu.memory_space<hbm>> -> memref<72x256xf32, #tpu.memory_space<hbm>>
    tpu.enqueue_dma source(%dma_start3A_7 : memref<72x256xf32, #tpu.memory_space<hbm>>) target(%arg6 : memref<72x256xf32, #tpu.memory_space<vmem>>) target_semaphore(%arg8 : memref<!tpu.dma_semaphore, #tpu.memory_space<semaphore_mem>>)
    %dma_wait3A = tpu.memref_slice %arg3[%mul3A_2] : memref<2304xi32, #tpu.memory_space<hbm>> -> memref<72xi32, #tpu.memory_space<hbm>>
    %dma_wait3A_8 = tpu.memref_slice %arg3[%mul3A_2] : memref<2304xi32, #tpu.memory_space<hbm>> -> memref<72xi32, #tpu.memory_space<hbm>>
    tpu.wait_dma2 semaphore(%arg7 : memref<!tpu.dma_semaphore, #tpu.memory_space<semaphore_mem>>) src(%dma_wait3A_8 : memref<72xi32, #tpu.memory_space<hbm>>) dst(%arg5 : memref<72xi32, #tpu.memory_space<vmem>>)
    %dma_wait3A_9 = arith.constant 0 : i32
    %dma_wait3A_10 = tpu.memref_slice %arg2[%mul3A_2, %dma_wait3A_9] : memref<2304x256xf32, #tpu.memory_space<hbm>> -> memref<72x256xf32, #tpu.memory_space<hbm>>
    %dma_wait3A_11 = arith.constant 0 : i32
    %dma_wait3A_12 = tpu.memref_slice %arg2[%mul3A_2, %dma_wait3A_11] : memref<2304x256xf32, #tpu.memory_space<hbm>> -> memref<72x256xf32, #tpu.memory_space<hbm>>
    tpu.wait_dma2 semaphore(%arg8 : memref<!tpu.dma_semaphore, #tpu.memory_space<semaphore_mem>>) src(%dma_wait3A_12 : memref<72x256xf32, #tpu.memory_space<hbm>>) dst(%arg6 : memref<72x256xf32, #tpu.memory_space<vmem>>)
    %dma_start3A_13 = arith.constant 0 : i32
    %dma_start3A_14 = arith.constant 0 : i32
    %dma_start3A_15 = tpu.memref_slice %arg4[%dma_start3A_13, %dma_start3A_14] : memref<4096x256xf32, #tpu.memory_space<hbm>> -> memref<4096x256xf32, #tpu.memory_space<hbm>>
    tpu.enqueue_indirect_dma source(%arg6 : memref<72x256xf32, #tpu.memory_space<vmem>>) target(%dma_start3A_15 : memref<4096x256xf32, #tpu.memory_space<hbm>>) offsets(%arg5 : memref<72xi32, #tpu.memory_space<vmem>>) semaphore(%arg7 : memref<!tpu.dma_semaphore, #tpu.memory_space<semaphore_mem>>)
    %dma_wait3A_16 = arith.constant 0 : i32
    %dma_wait3A_17 = arith.constant 0 : i32
    %dma_wait3A_18 = tpu.memref_slice %arg4[%dma_wait3A_16, %dma_wait3A_17] : memref<4096x256xf32, #tpu.memory_space<hbm>> -> memref<4096x256xf32, #tpu.memory_space<hbm>>
    tpu.wait_indirect_dma semaphore(%arg7 : memref<!tpu.dma_semaphore, #tpu.memory_space<semaphore_mem>>) src(%arg6 : memref<72x256xf32, #tpu.memory_space<vmem>>) dst(%dma_wait3A_18 : memref<4096x256xf32, #tpu.memory_space<hbm>>)
    return
  }
}

#map = affine_map<(d0, d1) -> (0, 0)>
#map1 = affine_map<(d0, d1) -> (0)>
module attributes {stable_mosaic.version = 14 : i64} {
  func.func @k(%arg0: i32, %arg1: i32, %arg2: memref<4096x256xf32, #tpu.memory_space<hbm>>, %arg3: memref<2304xi32, #tpu.memory_space<hbm>>, %arg4: memref<2304x256xf32, #tpu.memory_space<hbm>>, %arg5: memref<72xi32, #tpu.memory_space<vmem>>, %arg6: memref<72x256xf32, #tpu.memory_space<vmem>>, %arg7: memref<!tpu.dma_semaphore, #tpu.memory_space<semaphore_mem>>, %arg8: memref<!tpu.dma_semaphore, #tpu.memory_space<semaphore_mem>>) attributes {dimension_semantics = [#tpu.dimension_semantics<core_parallel>, #tpu.dimension_semantics<subcore_parallel>], iteration_bounds = array<i64: 2, 16>, scalar_prefetch = 0 : i64, scratch_operands = 4 : i64, tpu.core_type = #tpu.core_type<sc_vector_subcore>, window_params = [{transform_indices = #map}, {transform_indices = #map1}, {transform_indices = #map}]} {
    %mul3A = arith.constant 2 : i32
    %mul3A_0 = arith.muli %arg1, %mul3A : i32
    %add3A = arith.addi %mul3A_0, %arg0 : i32
    %mul3A_1 = arith.constant 72 : i32
    %mul3A_2 = arith.muli %add3A, %mul3A_1 : i32
    "tpu.region"() ({
      %run_scoped3A = tpu.sem_alloc : memref<!tpu.dma_semaphore, #tpu.memory_space<semaphore_mem>>
      %dma_start3A_33 = tpu.memref_slice %arg3[%mul3A_2] : memref<2304xi32, #tpu.memory_space<hbm>> -> memref<72xi32, #tpu.memory_space<hbm>>
      %dma_start3A_34 = tpu.memref_slice %arg3[%mul3A_2] : memref<2304xi32, #tpu.memory_space<hbm>> -> memref<72xi32, #tpu.memory_space<hbm>>
      tpu.enqueue_dma source(%dma_start3A_34 : memref<72xi32, #tpu.memory_space<hbm>>) target(%arg5 : memref<72xi32, #tpu.memory_space<vmem>>) target_semaphore(%run_scoped3A : memref<!tpu.dma_semaphore, #tpu.memory_space<semaphore_mem>>)
      %dma_wait3A_35 = tpu.memref_slice %arg3[%mul3A_2] : memref<2304xi32, #tpu.memory_space<hbm>> -> memref<72xi32, #tpu.memory_space<hbm>>
      %dma_wait3A_36 = tpu.memref_slice %arg3[%mul3A_2] : memref<2304xi32, #tpu.memory_space<hbm>> -> memref<72xi32, #tpu.memory_space<hbm>>
      tpu.wait_dma2 semaphore(%run_scoped3A : memref<!tpu.dma_semaphore, #tpu.memory_space<semaphore_mem>>) src(%dma_wait3A_36 : memref<72xi32, #tpu.memory_space<hbm>>) dst(%arg5 : memref<72xi32, #tpu.memory_space<vmem>>)
      tpu.yield
    }) : () -> ()
    %dma_start3A = arith.constant 0 : i32
    %dma_start3A_3 = arith.constant 0 : i32
    %dma_start3A_4 = tpu.memref_slice %arg6[%dma_start3A, %dma_start3A_3] : memref<72x256xf32, #tpu.memory_space<vmem>> -> memref<40x256xf32, #tpu.memory_space<vmem>>
    %dma_start3A_5 = arith.constant 0 : i32
    %dma_start3A_6 = tpu.memref_slice %arg5[%dma_start3A_5] : memref<72xi32, #tpu.memory_space<vmem>> -> memref<40xi32, #tpu.memory_space<vmem>>
    %dma_start3A_7 = arith.constant 0 : i32
    %dma_start3A_8 = arith.constant 0 : i32
    %dma_start3A_9 = tpu.memref_slice %arg2[%dma_start3A_7, %dma_start3A_8] : memref<4096x256xf32, #tpu.memory_space<hbm>> -> memref<4096x256xf32, #tpu.memory_space<hbm>>
    tpu.enqueue_indirect_dma source(%dma_start3A_9 : memref<4096x256xf32, #tpu.memory_space<hbm>>) target(%dma_start3A_4 : memref<40x256xf32, #tpu.memory_space<vmem>>) offsets(%dma_start3A_6 : memref<40xi32, #tpu.memory_space<vmem>>) semaphore(%arg7 : memref<!tpu.dma_semaphore, #tpu.memory_space<semaphore_mem>>)
    %dma_start3A_10 = arith.constant 40 : i32
    %dma_start3A_11 = arith.constant 0 : i32
    %dma_start3A_12 = tpu.memref_slice %arg6[%dma_start3A_10, %dma_start3A_11] : memref<72x256xf32, #tpu.memory_space<vmem>> -> memref<32x256xf32, #tpu.memory_space<vmem>>
    %dma_start3A_13 = arith.constant 40 : i32
    %dma_start3A_14 = tpu.memref_slice %arg5[%dma_start3A_13] : memref<72xi32, #tpu.memory_space<vmem>> -> memref<32xi32, #tpu.memory_space<vmem>>
    %dma_start3A_15 = arith.constant 0 : i32
    %dma_start3A_16 = arith.constant 0 : i32
    %dma_start3A_17 = tpu.memref_slice %arg2[%dma_start3A_15, %dma_start3A_16] : memref<4096x256xf32, #tpu.memory_space<hbm>> -> memref<4096x256xf32, #tpu.memory_space<hbm>>
    tpu.enqueue_indirect_dma source(%dma_start3A_17 : memref<4096x256xf32, #tpu.memory_space<hbm>>) target(%dma_start3A_12 : memref<32x256xf32, #tpu.memory_space<vmem>>) offsets(%dma_start3A_14 : memref<32xi32, #tpu.memory_space<vmem>>) semaphore(%arg8 : memref<!tpu.dma_semaphore, #tpu.memory_space<semaphore_mem>>)
    %dma_wait3A = arith.constant 0 : i32
    %dma_wait3A_18 = arith.constant 0 : i32
    %dma_wait3A_19 = tpu.memref_slice %arg6[%dma_wait3A, %dma_wait3A_18] : memref<72x256xf32, #tpu.memory_space<vmem>> -> memref<40x256xf32, #tpu.memory_space<vmem>>
    %dma_wait3A_20 = arith.constant 0 : i32
    %dma_wait3A_21 = tpu.memref_slice %arg5[%dma_wait3A_20] : memref<72xi32, #tpu.memory_space<vmem>> -> memref<40xi32, #tpu.memory_space<vmem>>
    %dma_wait3A_22 = arith.constant 0 : i32
    %dma_wait3A_23 = arith.constant 0 : i32
    %dma_wait3A_24 = tpu.memref_slice %arg2[%dma_wait3A_22, %dma_wait3A_23] : memref<4096x256xf32, #tpu.memory_space<hbm>> -> memref<4096x256xf32, #tpu.memory_space<hbm>>
    tpu.wait_indirect_dma semaphore(%arg7 : memref<!tpu.dma_semaphore, #tpu.memory_space<semaphore_mem>>) src(%dma_wait3A_24 : memref<4096x256xf32, #tpu.memory_space<hbm>>) dst(%dma_wait3A_19 : memref<40x256xf32, #tpu.memory_space<vmem>>)
    %dma_wait3A_25 = arith.constant 40 : i32
    %dma_wait3A_26 = arith.constant 0 : i32
    %dma_wait3A_27 = tpu.memref_slice %arg6[%dma_wait3A_25, %dma_wait3A_26] : memref<72x256xf32, #tpu.memory_space<vmem>> -> memref<32x256xf32, #tpu.memory_space<vmem>>
    %dma_wait3A_28 = arith.constant 40 : i32
    %dma_wait3A_29 = tpu.memref_slice %arg5[%dma_wait3A_28] : memref<72xi32, #tpu.memory_space<vmem>> -> memref<32xi32, #tpu.memory_space<vmem>>
    %dma_wait3A_30 = arith.constant 0 : i32
    %dma_wait3A_31 = arith.constant 0 : i32
    %dma_wait3A_32 = tpu.memref_slice %arg2[%dma_wait3A_30, %dma_wait3A_31] : memref<4096x256xf32, #tpu.memory_space<hbm>> -> memref<4096x256xf32, #tpu.memory_space<hbm>>
    tpu.wait_indirect_dma semaphore(%arg8 : memref<!tpu.dma_semaphore, #tpu.memory_space<semaphore_mem>>) src(%dma_wait3A_32 : memref<4096x256xf32, #tpu.memory_space<hbm>>) dst(%dma_wait3A_27 : memref<32x256xf32, #tpu.memory_space<vmem>>)
    "tpu.region"() ({
      %run_scoped3A = tpu.sem_alloc : memref<!tpu.dma_semaphore, #tpu.memory_space<semaphore_mem>>
      %dma_start3A_33 = arith.constant 0 : i32
      %dma_start3A_34 = tpu.memref_slice %arg4[%mul3A_2, %dma_start3A_33] : memref<2304x256xf32, #tpu.memory_space<hbm>> -> memref<72x256xf32, #tpu.memory_space<hbm>>
      %dma_start3A_35 = arith.constant 0 : i32
      %dma_start3A_36 = tpu.memref_slice %arg4[%mul3A_2, %dma_start3A_35] : memref<2304x256xf32, #tpu.memory_space<hbm>> -> memref<72x256xf32, #tpu.memory_space<hbm>>
      tpu.enqueue_dma source(%arg6 : memref<72x256xf32, #tpu.memory_space<vmem>>) target(%dma_start3A_36 : memref<72x256xf32, #tpu.memory_space<hbm>>) target_semaphore(%run_scoped3A : memref<!tpu.dma_semaphore, #tpu.memory_space<semaphore_mem>>)
      %dma_wait3A_37 = arith.constant 0 : i32
      %dma_wait3A_38 = tpu.memref_slice %arg4[%mul3A_2, %dma_wait3A_37] : memref<2304x256xf32, #tpu.memory_space<hbm>> -> memref<72x256xf32, #tpu.memory_space<hbm>>
      %dma_wait3A_39 = arith.constant 0 : i32
      %dma_wait3A_40 = tpu.memref_slice %arg4[%mul3A_2, %dma_wait3A_39] : memref<2304x256xf32, #tpu.memory_space<hbm>> -> memref<72x256xf32, #tpu.memory_space<hbm>>
      tpu.wait_dma2 semaphore(%run_scoped3A : memref<!tpu.dma_semaphore, #tpu.memory_space<semaphore_mem>>) src(%arg6 : memref<72x256xf32, #tpu.memory_space<vmem>>) dst(%dma_wait3A_40 : memref<72x256xf32, #tpu.memory_space<hbm>>)
      tpu.yield
    }) : () -> ()
    return
  }
}

module attributes {stable_mosaic.version = 14 : i64} {
  func.func @_expert_kernel(%arg0: i32, %arg1: memref<16xi32, #tpu.memory_space<smem>>, %arg2: memref<256x256xf32, #tpu.memory_space<vmem>>, %arg3: memref<1x192x768xf32, #tpu.memory_space<vmem>>, %arg4: memref<1x1x768xf32, #tpu.memory_space<vmem>>, %arg5: memref<1x1x768xf32, #tpu.memory_space<vmem>>, %arg6: memref<1x192x768xf32, #tpu.memory_space<vmem>>, %arg7: memref<256x256xf32, #tpu.memory_space<vmem>>) attributes {dimension_semantics = [#tpu.dimension_semantics<arbitrary>], iteration_bounds = array<i64: 16>, scalar_prefetch = 1 : i64, scratch_operands = 0 : i64, tpu.core_type = #tpu.core_type<tc>, window_params = [{transform_indices = @transform_0, window_bounds = array<i64: 256, 256>}, {transform_indices = @transform_1, window_bounds = array<i64: 1, 192, 768>}, {transform_indices = @transform_2, window_bounds = array<i64: 1, 1, 768>}, {transform_indices = @transform_3, window_bounds = array<i64: 1, 1, 768>}, {transform_indices = @transform_4, window_bounds = array<i64: 1, 192, 768>}, {transform_indices = @transform_5, window_bounds = array<i64: 256, 256>}]} {
    %get3A = arith.constant 0 : index
    %get3A_0 = arith.constant 0 : index
    %get3A_1 = vector.load %arg2[%get3A, %get3A_0] : memref<256x256xf32, #tpu.memory_space<vmem>>, vector<256x192xf32>
    %get3A_2 = arith.constant 0 : index
    %get3A_3 = arith.constant 0 : index
    %get3A_4 = arith.constant 0 : index
    %get3A_5 = vector.load %arg3[%get3A_2, %get3A_3, %get3A_4] : memref<1x192x768xf32, #tpu.memory_space<vmem>>, vector<1x192x768xf32>
    %get3A_6 = vector.shape_cast %get3A_5 : vector<1x192x768xf32> to vector<192x768xf32>
    %dot_general3A = arith.constant dense<0.000000e+00> : vector<256x768xf32>
    %dot_general3A_7 = tpu.matmul %get3A_1, %get3A_6, %dot_general3A {dimension_numbers = #tpu.dot_dimension_numbers<[1], [0], [0], [1], [0, 0, 1, 1], [], []>, transpose_lhs_hint = false} : vector<256x192xf32>, vector<192x768xf32>, vector<256x768xf32> -> vector<256x768xf32>
    %reduce_sum3A = arith.constant dense<0.000000e+00> : vector<256xf32>
    %reduce_sum3A_8 = vector.multi_reduction <add>, %dot_general3A_7, %reduce_sum3A [1] : vector<256x768xf32> to vector<256xf32>
    %broadcast_in_dim3A = vector.shape_cast %reduce_sum3A_8 : vector<256xf32> to vector<256x1xf32>
    %div3A = arith.constant 7.680000e+02 : f32
    %div3A_9 = vector.broadcast %div3A : f32 to vector<256x1xf32>
    %div3A_10 = arith.divf %broadcast_in_dim3A, %div3A_9 : vector<256x1xf32>
    %sub3A = vector.broadcast %div3A_10 : vector<256x1xf32> to vector<256x768xf32>
    %sub3A_11 = arith.subf %dot_general3A_7, %sub3A : vector<256x768xf32>
    %sub3A_12 = vector.broadcast %div3A_10 : vector<256x1xf32> to vector<256x768xf32>
    %sub3A_13 = arith.subf %dot_general3A_7, %sub3A_12 : vector<256x768xf32>
    %mul3A = arith.mulf %sub3A_11, %sub3A_13 : vector<256x768xf32>
    %reduce_sum3A_14 = arith.constant dense<0.000000e+00> : vector<256xf32>
    %reduce_sum3A_15 = vector.multi_reduction <add>, %mul3A, %reduce_sum3A_14 [1] : vector<256x768xf32> to vector<256xf32>
    %broadcast_in_dim3A_16 = vector.shape_cast %reduce_sum3A_15 : vector<256xf32> to vector<256x1xf32>
    %div3A_17 = arith.constant 7.680000e+02 : f32
    %div3A_18 = vector.broadcast %div3A_17 : f32 to vector<256x1xf32>
    %div3A_19 = arith.divf %broadcast_in_dim3A_16, %div3A_18 : vector<256x1xf32>
    %sub3A_20 = vector.broadcast %div3A_10 : vector<256x1xf32> to vector<256x768xf32>
    %sub3A_21 = arith.subf %dot_general3A_7, %sub3A_20 : vector<256x768xf32>
    %add3A = arith.constant 9.99999974E-6 : f32
    %add3A_22 = vector.broadcast %add3A : f32 to vector<256x1xf32>
    %add3A_23 = arith.addf %div3A_19, %add3A_22 : vector<256x1xf32>
    %rsqrt3A = math.rsqrt %add3A_23 : vector<256x1xf32>
    %mul3A_24 = vector.broadcast %rsqrt3A : vector<256x1xf32> to vector<256x768xf32>
    %mul3A_25 = arith.mulf %sub3A_21, %mul3A_24 : vector<256x768xf32>
    %get3A_26 = arith.constant 0 : index
    %get3A_27 = arith.constant 0 : index
    %get3A_28 = arith.constant 0 : index
    %get3A_29 = vector.load %arg4[%get3A_26, %get3A_27, %get3A_28] : memref<1x1x768xf32, #tpu.memory_space<vmem>>, vector<1x1x768xf32>
    %get3A_30 = vector.shape_cast %get3A_29 : vector<1x1x768xf32> to vector<1x768xf32>
    %mul3A_31 = vector.broadcast %get3A_30 : vector<1x768xf32> to vector<256x768xf32>
    %mul3A_32 = arith.mulf %mul3A_25, %mul3A_31 : vector<256x768xf32>
    %get3A_33 = arith.constant 0 : index
    %get3A_34 = arith.constant 0 : index
    %get3A_35 = arith.constant 0 : index
    %get3A_36 = vector.load %arg5[%get3A_33, %get3A_34, %get3A_35] : memref<1x1x768xf32, #tpu.memory_space<vmem>>, vector<1x1x768xf32>
    %get3A_37 = vector.shape_cast %get3A_36 : vector<1x1x768xf32> to vector<1x768xf32>
    %add3A_38 = vector.broadcast %get3A_37 : vector<1x768xf32> to vector<256x768xf32>
    %add3A_39 = arith.addf %mul3A_32, %add3A_38 : vector<256x768xf32>
    %logistic3A = arith.negf %add3A_39 : vector<256x768xf32>
    %logistic3A_40 = math.exp %logistic3A : vector<256x768xf32>
    %logistic3A_41 = arith.constant 1.000000e+00 : f32
    %logistic3A_42 = vector.broadcast %logistic3A_41 : f32 to vector<256x768xf32>
    %logistic3A_43 = arith.addf %logistic3A_42, %logistic3A_40 : vector<256x768xf32>
    %logistic3A_44 = arith.divf %logistic3A_42, %logistic3A_43 : vector<256x768xf32>
    %mul3A_45 = arith.mulf %add3A_39, %logistic3A_44 : vector<256x768xf32>
    %get3A_46 = arith.constant 0 : index
    %get3A_47 = arith.constant 0 : index
    %get3A_48 = arith.constant 0 : index
    %get3A_49 = vector.load %arg6[%get3A_46, %get3A_47, %get3A_48] : memref<1x192x768xf32, #tpu.memory_space<vmem>>, vector<1x192x768xf32>
    %get3A_50 = vector.shape_cast %get3A_49 : vector<1x192x768xf32> to vector<192x768xf32>
    %dot_general3A_51 = arith.constant dense<0.000000e+00> : vector<256x192xf32>
    %dot_general3A_52 = tpu.matmul %mul3A_45, %get3A_50, %dot_general3A_51 {dimension_numbers = #tpu.dot_dimension_numbers<[1], [1], [0], [0], [0, 0, 1, 0], [], []>, transpose_lhs_hint = false} : vector<256x768xf32>, vector<192x768xf32>, vector<256x192xf32> -> vector<256x192xf32>
    %swap3A = arith.constant 0 : index
    %swap3A_53 = arith.constant 0 : index
    %swap3A_54 = vector.load %arg7[%swap3A, %swap3A_53] : memref<256x256xf32, #tpu.memory_space<vmem>>, vector<256x192xf32>
    tpu.vector_store %arg7[%swap3A, %swap3A_53], %dot_general3A_52 {strides = array<i32>} : memref<256x256xf32, #tpu.memory_space<vmem>>, vector<256x192xf32>,
    return
  }
  func.func @transform_0(%arg0: i32, %arg1: memref<16xi32, #tpu.memory_space<smem>>) -> (i32, i32) {
    %c0_i32 = arith.constant 0 : i32
    %c0_i32_0 = arith.constant 0 : i32
    return %arg0, %c0_i32 : i32, i32
  }
  func.func @transform_1(%arg0: i32, %arg1: memref<16xi32, #tpu.memory_space<smem>>) -> (i32, i32, i32) {
    %get3A = arith.index_cast %arg0 : i32 to index
    %get3A_0 = memref.load %arg1[%get3A] : memref<16xi32, #tpu.memory_space<smem>>
    %c0_i32 = arith.constant 0 : i32
    %c0_i32_1 = arith.constant 0 : i32
    %c0_i32_2 = arith.constant 0 : i32
    return %get3A_0, %c0_i32, %c0_i32_1 : i32, i32, i32
  }
  func.func @transform_2(%arg0: i32, %arg1: memref<16xi32, #tpu.memory_space<smem>>) -> (i32, i32, i32) {
    %get3A = arith.index_cast %arg0 : i32 to index
    %get3A_0 = memref.load %arg1[%get3A] : memref<16xi32, #tpu.memory_space<smem>>
    %c0_i32 = arith.constant 0 : i32
    %c0_i32_1 = arith.constant 0 : i32
    %c0_i32_2 = arith.constant 0 : i32
    return %get3A_0, %c0_i32, %c0_i32_1 : i32, i32, i32
  }
  func.func @transform_3(%arg0: i32, %arg1: memref<16xi32, #tpu.memory_space<smem>>) -> (i32, i32, i32) {
    %get3A = arith.index_cast %arg0 : i32 to index
    %get3A_0 = memref.load %arg1[%get3A] : memref<16xi32, #tpu.memory_space<smem>>
    %c0_i32 = arith.constant 0 : i32
    %c0_i32_1 = arith.constant 0 : i32
    %c0_i32_2 = arith.constant 0 : i32
    return %get3A_0, %c0_i32, %c0_i32_1 : i32, i32, i32
  }
  func.func @transform_4(%arg0: i32, %arg1: memref<16xi32, #tpu.memory_space<smem>>) -> (i32, i32, i32) {
    %get3A = arith.index_cast %arg0 : i32 to index
    %get3A_0 = memref.load %arg1[%get3A] : memref<16xi32, #tpu.memory_space<smem>>
    %c0_i32 = arith.constant 0 : i32
    %c0_i32_1 = arith.constant 0 : i32
    %c0_i32_2 = arith.constant 0 : i32
    return %get3A_0, %c0_i32, %c0_i32_1 : i32, i32, i32
  }
  func.func @transform_5(%arg0: i32, %arg1: memref<16xi32, #tpu.memory_space<smem>>) -> (i32, i32) {
    %c0_i32 = arith.constant 0 : i32
    %c0_i32_0 = arith.constant 0 : i32
    return %arg0, %c0_i32 : i32, i32
  }
}

module attributes {stable_mosaic.version = 14 : i64} {
  func.func @_bn2_kernel(%arg0: memref<2304x256xf32, #tpu.memory_space<vmem>>, %arg1: memref<2304x1xf32, #tpu.memory_space<vmem>>, %arg2: memref<2304x192xf32, #tpu.memory_space<vmem>>, %arg3: memref<1x192xf32, #tpu.memory_space<vmem>>, %arg4: memref<1x192xf32, #tpu.memory_space<vmem>>, %arg5: memref<2304x192xf32, #tpu.memory_space<vmem>>) attributes {dimension_semantics = [], scalar_prefetch = 0 : i64, scratch_operands = 0 : i64, tpu.core_type = #tpu.core_type<tc>} {
    %get3A = arith.constant 0 : index
    %get3A_0 = arith.constant 0 : index
    %get3A_1 = vector.load %arg0[%get3A, %get3A_0] : memref<2304x256xf32, #tpu.memory_space<vmem>>, vector<2304x192xf32>
    %get3A_2 = arith.constant 0 : index
    %get3A_3 = arith.constant 0 : index
    %get3A_4 = vector.load %arg1[%get3A_2, %get3A_3] : memref<2304x1xf32, #tpu.memory_space<vmem>>, vector<2304x1xf32>
    %mul3A = vector.broadcast %get3A_4 : vector<2304x1xf32> to vector<2304x192xf32>
    %mul3A_5 = arith.mulf %get3A_1, %mul3A : vector<2304x192xf32>
    %reduce_sum3A = arith.constant dense<0.000000e+00> : vector<192xf32>
    %reduce_sum3A_6 = vector.multi_reduction <add>, %mul3A_5, %reduce_sum3A [0] : vector<2304x192xf32> to vector<192xf32>
    %broadcast_in_dim3A = vector.shape_cast %reduce_sum3A_6 : vector<192xf32> to vector<1x192xf32>
    %div3A = arith.constant 2.304000e+03 : f32
    %div3A_7 = vector.broadcast %div3A : f32 to vector<1x192xf32>
    %div3A_8 = arith.divf %broadcast_in_dim3A, %div3A_7 : vector<1x192xf32>
    %sub3A = vector.broadcast %div3A_8 : vector<1x192xf32> to vector<2304x192xf32>
    %sub3A_9 = arith.subf %mul3A_5, %sub3A : vector<2304x192xf32>
    %sub3A_10 = vector.broadcast %div3A_8 : vector<1x192xf32> to vector<2304x192xf32>
    %sub3A_11 = arith.subf %mul3A_5, %sub3A_10 : vector<2304x192xf32>
    %mul3A_12 = arith.mulf %sub3A_9, %sub3A_11 : vector<2304x192xf32>
    %reduce_sum3A_13 = arith.constant dense<0.000000e+00> : vector<192xf32>
    %reduce_sum3A_14 = vector.multi_reduction <add>, %mul3A_12, %reduce_sum3A_13 [0] : vector<2304x192xf32> to vector<192xf32>
    %broadcast_in_dim3A_15 = vector.shape_cast %reduce_sum3A_14 : vector<192xf32> to vector<1x192xf32>
    %div3A_16 = arith.constant 2.304000e+03 : f32
    %div3A_17 = vector.broadcast %div3A_16 : f32 to vector<1x192xf32>
    %div3A_18 = arith.divf %broadcast_in_dim3A_15, %div3A_17 : vector<1x192xf32>
    %sub3A_19 = vector.broadcast %div3A_8 : vector<1x192xf32> to vector<2304x192xf32>
    %sub3A_20 = arith.subf %mul3A_5, %sub3A_19 : vector<2304x192xf32>
    %add3A = arith.constant 1.000000e-03 : f32
    %add3A_21 = vector.broadcast %add3A : f32 to vector<1x192xf32>
    %add3A_22 = arith.addf %div3A_18, %add3A_21 : vector<1x192xf32>
    %rsqrt3A = math.rsqrt %add3A_22 : vector<1x192xf32>
    %mul3A_23 = vector.broadcast %rsqrt3A : vector<1x192xf32> to vector<2304x192xf32>
    %mul3A_24 = arith.mulf %sub3A_20, %mul3A_23 : vector<2304x192xf32>
    %get3A_25 = arith.constant 0 : index
    %get3A_26 = arith.constant 0 : index
    %get3A_27 = vector.load %arg3[%get3A_25, %get3A_26] : memref<1x192xf32, #tpu.memory_space<vmem>>, vector<1x192xf32>
    %mul3A_28 = vector.broadcast %get3A_27 : vector<1x192xf32> to vector<2304x192xf32>
    %mul3A_29 = arith.mulf %mul3A_24, %mul3A_28 : vector<2304x192xf32>
    %get3A_30 = arith.constant 0 : index
    %get3A_31 = arith.constant 0 : index
    %get3A_32 = vector.load %arg4[%get3A_30, %get3A_31] : memref<1x192xf32, #tpu.memory_space<vmem>>, vector<1x192xf32>
    %add3A_33 = vector.broadcast %get3A_32 : vector<1x192xf32> to vector<2304x192xf32>
    %add3A_34 = arith.addf %mul3A_29, %add3A_33 : vector<2304x192xf32>
    %get3A_35 = arith.constant 0 : index
    %get3A_36 = arith.constant 0 : index
    %get3A_37 = vector.load %arg2[%get3A_35, %get3A_36] : memref<2304x192xf32, #tpu.memory_space<vmem>>, vector<2304x192xf32>
    %add3A_38 = arith.addf %add3A_34, %get3A_37 : vector<2304x192xf32>
    %swap3A = arith.constant 0 : index
    %swap3A_39 = arith.constant 0 : index
    %swap3A_40 = vector.load %arg5[%swap3A, %swap3A_39] : memref<2304x192xf32, #tpu.memory_space<vmem>>, vector<2304x192xf32>
    tpu.vector_store %arg5[%swap3A, %swap3A_39], %add3A_38 {strides = array<i32>} : memref<2304x192xf32, #tpu.memory_space<vmem>>, vector<2304x192xf32>,
    return
  }
}

module attributes {stable_mosaic.version = 14 : i64} {
  func.func @_front_kernel(%arg0: memref<4x24x24x192xf32, #tpu.memory_space<any>>, %arg1: memref<3x3x192xf32, #tpu.memory_space<vmem>>, %arg2: memref<1x192xf32, #tpu.memory_space<vmem>>, %arg3: memref<1x192xf32, #tpu.memory_space<vmem>>, %arg4: memref<48x192xf32, #tpu.memory_space<vmem>>, %arg5: memref<1x48xf32, #tpu.memory_space<vmem>>, %arg6: memref<48x192xf32, #tpu.memory_space<vmem>>, %arg7: memref<1x192xf32, #tpu.memory_space<vmem>>, %arg8: memref<8x192xf32, #tpu.memory_space<vmem>>, %arg9: memref<1x8xf32, #tpu.memory_space<vmem>>, %arg10: memref<2304x256xf32, #tpu.memory_space<vmem>>, %arg11: memref<2304xi32, #tpu.memory_space<vmem>>, %arg12: memref<2304x1xf32, #tpu.memory_space<vmem>>, %arg13: memref<16xi32, #tpu.memory_space<vmem>>, %arg14: memref<1x1xf32, #tpu.memory_space<vmem>>, %arg15: memref<4x26x40x192xf32, #tpu.memory_space<vmem>>, %arg16: memref<4x26x24x192xf32, #tpu.memory_space<vmem>>, %arg17: memref<!tpu.dma_semaphore, #tpu.memory_space<semaphore_mem>>) attributes {dimension_semantics = [], scalar_prefetch = 0 : i64, scratch_operands = 3 : i64, tpu.core_type = #tpu.core_type<tc>} {
    %dma_start3A = arith.constant 0 : i32
    %dma_start3A_0 = arith.constant 1 : i32
    %dma_start3A_1 = arith.constant 8 : i32
    %dma_start3A_2 = arith.constant 0 : i32
    %dma_start3A_3 = tpu.memref_slice %arg15[%dma_start3A, %dma_start3A_0, %dma_start3A_1, %dma_start3A_2] : memref<4x26x40x192xf32, #tpu.memory_space<vmem>> -> memref<4x24x24x192xf32, #tpu.memory_space<vmem>>
    tpu.enqueue_dma source(%arg0 : memref<4x24x24x192xf32, #tpu.memory_space<any>>) target(%dma_start3A_3 : memref<4x24x24x192xf32, #tpu.memory_space<vmem>>) target_semaphore(%arg17 : memref<!tpu.dma_semaphore, #tpu.memory_space<semaphore_mem>>)
    %broadcast_in_dim3A = arith.constant 0.000000e+00 : f32
    %broadcast_in_dim3A_4 = vector.broadcast %broadcast_in_dim3A : f32 to vector<4x1x40x192xf32>
    %swap3A = arith.constant 0 : index
    %swap3A_5 = arith.constant 0 : index
    %swap3A_6 = arith.constant 0 : index
    %swap3A_7 = arith.constant 0 : index
    %swap3A_8 = vector.load %arg15[%swap3A, %swap3A_5, %swap3A_6, %swap3A_7] : memref<4x26x40x192xf32, #tpu.memory_space<vmem>>, vector<4x1x40x192xf32>
    tpu.vector_store %arg15[%swap3A, %swap3A_5, %swap3A_6, %swap3A_7], %broadcast_in_dim3A_4 {strides = array<i32>} : memref<4x26x40x192xf32, #tpu.memory_space<vmem>>, vector<4x1x40x192xf32>,
    %broadcast_in_dim3A_9 = arith.constant 0.000000e+00 : f32
    %broadcast_in_dim3A_10 = vector.broadcast %broadcast_in_dim3A_9 : f32 to vector<4x1x40x192xf32>
    %swap3A_11 = arith.constant 0 : index
    %swap3A_12 = arith.constant 25 : index
    %swap3A_13 = arith.constant 0 : index
    %swap3A_14 = arith.constant 0 : index
    %swap3A_15 = vector.load %arg15[%swap3A_11, %swap3A_12, %swap3A_13, %swap3A_14] : memref<4x26x40x192xf32, #tpu.memory_space<vmem>>, vector<4x1x40x192xf32>
    tpu.vector_store %arg15[%swap3A_11, %swap3A_12, %swap3A_13, %swap3A_14], %broadcast_in_dim3A_10 {strides = array<i32>} : memref<4x26x40x192xf32, #tpu.memory_space<vmem>>, vector<4x1x40x192xf32>,
    %broadcast_in_dim3A_16 = arith.constant 0.000000e+00 : f32
    %broadcast_in_dim3A_17 = vector.broadcast %broadcast_in_dim3A_16 : f32 to vector<4x26x8x192xf32>
    %swap3A_18 = arith.constant 0 : index
    %swap3A_19 = arith.constant 0 : index
    %swap3A_20 = arith.constant 0 : index
    %swap3A_21 = arith.constant 0 : index
    %swap3A_22 = vector.load %arg15[%swap3A_18, %swap3A_19, %swap3A_20, %swap3A_21] : memref<4x26x40x192xf32, #tpu.memory_space<vmem>>, vector<4x26x8x192xf32>
    tpu.vector_store %arg15[%swap3A_18, %swap3A_19, %swap3A_20, %swap3A_21], %broadcast_in_dim3A_17 {strides = array<i32>} : memref<4x26x40x192xf32, #tpu.memory_space<vmem>>, vector<4x26x8x192xf32>,
    %broadcast_in_dim3A_23 = arith.constant 0.000000e+00 : f32
    %broadcast_in_dim3A_24 = vector.broadcast %broadcast_in_dim3A_23 : f32 to vector<4x26x8x192xf32>
    %swap3A_25 = arith.constant 0 : index
    %swap3A_26 = arith.constant 0 : index
    %swap3A_27 = arith.constant 32 : index
    %swap3A_28 = arith.constant 0 : index
    %swap3A_29 = vector.load %arg15[%swap3A_25, %swap3A_26, %swap3A_27, %swap3A_28] : memref<4x26x40x192xf32, #tpu.memory_space<vmem>>, vector<4x26x8x192xf32>
    tpu.vector_store %arg15[%swap3A_25, %swap3A_26, %swap3A_27, %swap3A_28], %broadcast_in_dim3A_24 {strides = array<i32>} : memref<4x26x40x192xf32, #tpu.memory_space<vmem>>, vector<4x26x8x192xf32>,
    %dma_wait3A = arith.constant 0 : i32
    %dma_wait3A_30 = arith.constant 1 : i32
    %dma_wait3A_31 = arith.constant 8 : i32
    %dma_wait3A_32 = arith.constant 0 : i32
    %dma_wait3A_33 = tpu.memref_slice %arg15[%dma_wait3A, %dma_wait3A_30, %dma_wait3A_31, %dma_wait3A_32] : memref<4x26x40x192xf32, #tpu.memory_space<vmem>> -> memref<4x24x24x192xf32, #tpu.memory_space<vmem>>
    tpu.wait_dma2 semaphore(%arg17 : memref<!tpu.dma_semaphore, #tpu.memory_space<semaphore_mem>>) src(%arg0 : memref<4x24x24x192xf32, #tpu.memory_space<any>>) dst(%dma_wait3A_33 : memref<4x24x24x192xf32, #tpu.memory_space<vmem>>)
    %get3A = arith.constant 0 : index
    %get3A_34 = arith.constant 0 : index
    %get3A_35 = arith.constant 0 : index
    %get3A_36 = arith.constant 0 : index
    %get3A_37 = vector.load %arg15[%get3A, %get3A_34, %get3A_35, %get3A_36] : memref<4x26x40x192xf32, #tpu.memory_space<vmem>>, vector<4x26x40x192xf32>
    %slice3A = vector.extract_strided_slice %get3A_37 {offsets = [0, 0, 7, 0], sizes = [4, 26, 24, 192], strides = [1, 1, 1, 1]} : vector<4x26x40x192xf32> to vector<4x26x24x192xf32>
    %swap3A_38 = arith.constant 0 : index
    %swap3A_39 = arith.constant 0 : index
    %swap3A_40 = arith.constant 0 : index
    %swap3A_41 = arith.constant 0 : index
    %swap3A_42 = vector.load %arg16[%swap3A_38, %swap3A_39, %swap3A_40, %swap3A_41] : memref<4x26x24x192xf32, #tpu.memory_space<vmem>>, vector<4x26x24x192xf32>
    tpu.vector_store %arg16[%swap3A_38, %swap3A_39, %swap3A_40, %swap3A_41], %slice3A {strides = array<i32>} : memref<4x26x24x192xf32, #tpu.memory_space<vmem>>, vector<4x26x24x192xf32>,
    %get3A_43 = arith.constant 0 : index
    %get3A_44 = arith.constant 0 : index
    %get3A_45 = arith.constant 0 : index
    %get3A_46 = arith.constant 0 : index
    %get3A_47 = vector.load %arg16[%get3A_43, %get3A_44, %get3A_45, %get3A_46] : memref<4x26x24x192xf32, #tpu.memory_space<vmem>>, vector<4x26x24x192xf32>
    %get3A_48 = arith.constant 0 : index
    %get3A_49 = arith.constant 0 : index
    %get3A_50 = arith.constant 0 : index
    %get3A_51 = vector.load %arg1[%get3A_48, %get3A_49, %get3A_50] : memref<3x3x192xf32, #tpu.memory_space<vmem>>, vector<1x1x192xf32>
    %get3A_52 = vector.shape_cast %get3A_51 : vector<1x1x192xf32> to vector<192xf32>
    %slice3A_53 = vector.extract_strided_slice %get3A_47 {offsets = [0, 0, 0, 0], sizes = [4, 24, 24, 192], strides = [1, 1, 1, 1]} : vector<4x26x24x192xf32> to vector<4x24x24x192xf32>
    %broadcast_in_dim3A_54 = vector.shape_cast %get3A_52 : vector<192xf32> to vector<1x1x1x192xf32>
    %mul3A = vector.broadcast %broadcast_in_dim3A_54 : vector<1x1x1x192xf32> to vector<4x24x24x192xf32>
    %mul3A_55 = arith.mulf %slice3A_53, %mul3A : vector<4x24x24x192xf32>
    %get3A_56 = arith.constant 1 : index
    %get3A_57 = arith.constant 0 : index
    %get3A_58 = arith.constant 0 : index
    %get3A_59 = vector.load %arg1[%get3A_56, %get3A_57, %get3A_58] : memref<3x3x192xf32, #tpu.memory_space<vmem>>, vector<1x1x192xf32>
    %get3A_60 = vector.shape_cast %get3A_59 : vector<1x1x192xf32> to vector<192xf32>
    %slice3A_61 = vector.extract_strided_slice %get3A_47 {offsets = [0, 1, 0, 0], sizes = [4, 24, 24, 192], strides = [1, 1, 1, 1]} : vector<4x26x24x192xf32> to vector<4x24x24x192xf32>
    %broadcast_in_dim3A_62 = vector.shape_cast %get3A_60 : vector<192xf32> to vector<1x1x1x192xf32>
    %mul3A_63 = vector.broadcast %broadcast_in_dim3A_62 : vector<1x1x1x192xf32> to vector<4x24x24x192xf32>
    %mul3A_64 = arith.mulf %slice3A_61, %mul3A_63 : vector<4x24x24x192xf32>
    %add3A = arith.addf %mul3A_55, %mul3A_64 : vector<4x24x24x192xf32>
    %get3A_65 = arith.constant 2 : index
    %get3A_66 = arith.constant 0 : index
    %get3A_67 = arith.constant 0 : index
    %get3A_68 = vector.load %arg1[%get3A_65, %get3A_66, %get3A_67] : memref<3x3x192xf32, #tpu.memory_space<vmem>>, vector<1x1x192xf32>
    %get3A_69 = vector.shape_cast %get3A_68 : vector<1x1x192xf32> to vector<192xf32>
    %slice3A_70 = vector.extract_strided_slice %get3A_47 {offsets = [0, 2, 0, 0], sizes = [4, 24, 24, 192], strides = [1, 1, 1, 1]} : vector<4x26x24x192xf32> to vector<4x24x24x192xf32>
    %broadcast_in_dim3A_71 = vector.shape_cast %get3A_69 : vector<192xf32> to vector<1x1x1x192xf32>
    %mul3A_72 = vector.broadcast %broadcast_in_dim3A_71 : vector<1x1x1x192xf32> to vector<4x24x24x192xf32>
    %mul3A_73 = arith.mulf %slice3A_70, %mul3A_72 : vector<4x24x24x192xf32>
    %add3A_74 = arith.addf %add3A, %mul3A_73 : vector<4x24x24x192xf32>
    %slice3A_75 = vector.extract_strided_slice %get3A_37 {offsets = [0, 0, 8, 0], sizes = [4, 26, 24, 192], strides = [1, 1, 1, 1]} : vector<4x26x40x192xf32> to vector<4x26x24x192xf32>
    %get3A_76 = arith.constant 0 : index
    %get3A_77 = arith.constant 1 : index
    %get3A_78 = arith.constant 0 : index
    %get3A_79 = vector.load %arg1[%get3A_76, %get3A_77, %get3A_78] : memref<3x3x192xf32, #tpu.memory_space<vmem>>, vector<1x1x192xf32>
    %get3A_80 = vector.shape_cast %get3A_79 : vector<1x1x192xf32> to vector<192xf32>
    %slice3A_81 = vector.extract_strided_slice %slice3A_75 {offsets = [0, 0, 0, 0], sizes = [4, 24, 24, 192], strides = [1, 1, 1, 1]} : vector<4x26x24x192xf32> to vector<4x24x24x192xf32>
    %broadcast_in_dim3A_82 = vector.shape_cast %get3A_80 : vector<192xf32> to vector<1x1x1x192xf32>
    %mul3A_83 = vector.broadcast %broadcast_in_dim3A_82 : vector<1x1x1x192xf32> to vector<4x24x24x192xf32>
    %mul3A_84 = arith.mulf %slice3A_81, %mul3A_83 : vector<4x24x24x192xf32>
    %add3A_85 = arith.addf %add3A_74, %mul3A_84 : vector<4x24x24x192xf32>
    %get3A_86 = arith.constant 1 : index
    %get3A_87 = arith.constant 1 : index
    %get3A_88 = arith.constant 0 : index
    %get3A_89 = vector.load %arg1[%get3A_86, %get3A_87, %get3A_88] : memref<3x3x192xf32, #tpu.memory_space<vmem>>, vector<1x1x192xf32>
    %get3A_90 = vector.shape_cast %get3A_89 : vector<1x1x192xf32> to vector<192xf32>
    %slice3A_91 = vector.extract_strided_slice %slice3A_75 {offsets = [0, 1, 0, 0], sizes = [4, 24, 24, 192], strides = [1, 1, 1, 1]} : vector<4x26x24x192xf32> to vector<4x24x24x192xf32>
    %broadcast_in_dim3A_92 = vector.shape_cast %get3A_90 : vector<192xf32> to vector<1x1x1x192xf32>
    %mul3A_93 = vector.broadcast %broadcast_in_dim3A_92 : vector<1x1x1x192xf32> to vector<4x24x24x192xf32>
    %mul3A_94 = arith.mulf %slice3A_91, %mul3A_93 : vector<4x24x24x192xf32>
    %add3A_95 = arith.addf %add3A_85, %mul3A_94 : vector<4x24x24x192xf32>
    %get3A_96 = arith.constant 2 : index
    %get3A_97 = arith.constant 1 : index
    %get3A_98 = arith.constant 0 : index
    %get3A_99 = vector.load %arg1[%get3A_96, %get3A_97, %get3A_98] : memref<3x3x192xf32, #tpu.memory_space<vmem>>, vector<1x1x192xf32>
    %get3A_100 = vector.shape_cast %get3A_99 : vector<1x1x192xf32> to vector<192xf32>
    %slice3A_101 = vector.extract_strided_slice %slice3A_75 {offsets = [0, 2, 0, 0], sizes = [4, 24, 24, 192], strides = [1, 1, 1, 1]} : vector<4x26x24x192xf32> to vector<4x24x24x192xf32>
    %broadcast_in_dim3A_102 = vector.shape_cast %get3A_100 : vector<192xf32> to vector<1x1x1x192xf32>
    %mul3A_103 = vector.broadcast %broadcast_in_dim3A_102 : vector<1x1x1x192xf32> to vector<4x24x24x192xf32>
    %mul3A_104 = arith.mulf %slice3A_101, %mul3A_103 : vector<4x24x24x192xf32>
    %add3A_105 = arith.addf %add3A_95, %mul3A_104 : vector<4x24x24x192xf32>
    %slice3A_106 = vector.extract_strided_slice %get3A_37 {offsets = [0, 0, 9, 0], sizes = [4, 26, 24, 192], strides = [1, 1, 1, 1]} : vector<4x26x40x192xf32> to vector<4x26x24x192xf32>
    %swap3A_107 = arith.constant 0 : index
    %swap3A_108 = arith.constant 0 : index
    %swap3A_109 = arith.constant 0 : index
    %swap3A_110 = arith.constant 0 : index
    %swap3A_111 = vector.load %arg16[%swap3A_107, %swap3A_108, %swap3A_109, %swap3A_110] : memref<4x26x24x192xf32, #tpu.memory_space<vmem>>, vector<4x26x24x192xf32>
    tpu.vector_store %arg16[%swap3A_107, %swap3A_108, %swap3A_109, %swap3A_110], %slice3A_106 {strides = array<i32>} : memref<4x26x24x192xf32, #tpu.memory_space<vmem>>, vector<4x26x24x192xf32>,
    %get3A_112 = arith.constant 0 : index
    %get3A_113 = arith.constant 0 : index
    %get3A_114 = arith.constant 0 : index
    %get3A_115 = arith.constant 0 : index
    %get3A_116 = vector.load %arg16[%get3A_112, %get3A_113, %get3A_114, %get3A_115] : memref<4x26x24x192xf32, #tpu.memory_space<vmem>>, vector<4x26x24x192xf32>
    %get3A_117 = arith.constant 0 : index
    %get3A_118 = arith.constant 2 : index
    %get3A_119 = arith.constant 0 : index
    %get3A_120 = vector.load %arg1[%get3A_117, %get3A_118, %get3A_119] : memref<3x3x192xf32, #tpu.memory_space<vmem>>, vector<1x1x192xf32>
    %get3A_121 = vector.shape_cast %get3A_120 : vector<1x1x192xf32> to vector<192xf32>
    %slice3A_122 = vector.extract_strided_slice %get3A_116 {offsets = [0, 0, 0, 0], sizes = [4, 24, 24, 192], strides = [1, 1, 1, 1]} : vector<4x26x24x192xf32> to vector<4x24x24x192xf32>
    %broadcast_in_dim3A_123 = vector.shape_cast %get3A_121 : vector<192xf32> to vector<1x1x1x192xf32>
    %mul3A_124 = vector.broadcast %broadcast_in_dim3A_123 : vector<1x1x1x192xf32> to vector<4x24x24x192xf32>
    %mul3A_125 = arith.mulf %slice3A_122, %mul3A_124 : vector<4x24x24x192xf32>
    %add3A_126 = arith.addf %add3A_105, %mul3A_125 : vector<4x24x24x192xf32>
    %get3A_127 = arith.constant 1 : index
    %get3A_128 = arith.constant 2 : index
    %get3A_129 = arith.constant 0 : index
    %get3A_130 = vector.load %arg1[%get3A_127, %get3A_128, %get3A_129] : memref<3x3x192xf32, #tpu.memory_space<vmem>>, vector<1x1x192xf32>
    %get3A_131 = vector.shape_cast %get3A_130 : vector<1x1x192xf32> to vector<192xf32>
    %slice3A_132 = vector.extract_strided_slice %get3A_116 {offsets = [0, 1, 0, 0], sizes = [4, 24, 24, 192], strides = [1, 1, 1, 1]} : vector<4x26x24x192xf32> to vector<4x24x24x192xf32>
    %broadcast_in_dim3A_133 = vector.shape_cast %get3A_131 : vector<192xf32> to vector<1x1x1x192xf32>
    %mul3A_134 = vector.broadcast %broadcast_in_dim3A_133 : vector<1x1x1x192xf32> to vector<4x24x24x192xf32>
    %mul3A_135 = arith.mulf %slice3A_132, %mul3A_134 : vector<4x24x24x192xf32>
    %add3A_136 = arith.addf %add3A_126, %mul3A_135 : vector<4x24x24x192xf32>
    %get3A_137 = arith.constant 2 : index
    %get3A_138 = arith.constant 2 : index
    %get3A_139 = arith.constant 0 : index
    %get3A_140 = vector.load %arg1[%get3A_137, %get3A_138, %get3A_139] : memref<3x3x192xf32, #tpu.memory_space<vmem>>, vector<1x1x192xf32>
    %get3A_141 = vector.shape_cast %get3A_140 : vector<1x1x192xf32> to vector<192xf32>
    %slice3A_142 = vector.extract_strided_slice %get3A_116 {offsets = [0, 2, 0, 0], sizes = [4, 24, 24, 192], strides = [1, 1, 1, 1]} : vector<4x26x24x192xf32> to vector<4x24x24x192xf32>
    %broadcast_in_dim3A_143 = vector.shape_cast %get3A_141 : vector<192xf32> to vector<1x1x1x192xf32>
    %mul3A_144 = vector.broadcast %broadcast_in_dim3A_143 : vector<1x1x1x192xf32> to vector<4x24x24x192xf32>
    %mul3A_145 = arith.mulf %slice3A_142, %mul3A_144 : vector<4x24x24x192xf32>
    %add3A_146 = arith.addf %add3A_136, %mul3A_145 : vector<4x24x24x192xf32>
    %reshape3A = vector.shape_cast %add3A_146 : vector<4x24x24x192xf32> to vector<2304x192xf32>
    %reduce_sum3A = arith.constant dense<0.000000e+00> : vector<192xf32>
    %reduce_sum3A_147 = vector.multi_reduction <add>, %reshape3A, %reduce_sum3A [0] : vector<2304x192xf32> to vector<192xf32>
    %broadcast_in_dim3A_148 = vector.shape_cast %reduce_sum3A_147 : vector<192xf32> to vector<1x192xf32>
    %div3A = arith.constant 2.304000e+03 : f32
    %div3A_149 = vector.broadcast %div3A : f32 to vector<1x192xf32>
    %div3A_150 = arith.divf %broadcast_in_dim3A_148, %div3A_149 : vector<1x192xf32>
    %sub3A = vector.broadcast %div3A_150 : vector<1x192xf32> to vector<2304x192xf32>
    %sub3A_151 = arith.subf %reshape3A, %sub3A : vector<2304x192xf32>
    %sub3A_152 = vector.broadcast %div3A_150 : vector<1x192xf32> to vector<2304x192xf32>
    %sub3A_153 = arith.subf %reshape3A, %sub3A_152 : vector<2304x192xf32>
    %mul3A_154 = arith.mulf %sub3A_151, %sub3A_153 : vector<2304x192xf32>
    %reduce_sum3A_155 = arith.constant dense<0.000000e+00> : vector<192xf32>
    %reduce_sum3A_156 = vector.multi_reduction <add>, %mul3A_154, %reduce_sum3A_155 [0] : vector<2304x192xf32> to vector<192xf32>
    %broadcast_in_dim3A_157 = vector.shape_cast %reduce_sum3A_156 : vector<192xf32> to vector<1x192xf32>
    %div3A_158 = arith.constant 2.304000e+03 : f32
    %div3A_159 = vector.broadcast %div3A_158 : f32 to vector<1x192xf32>
    %div3A_160 = arith.divf %broadcast_in_dim3A_157, %div3A_159 : vector<1x192xf32>
    %sub3A_161 = vector.broadcast %div3A_150 : vector<1x192xf32> to vector<2304x192xf32>
    %sub3A_162 = arith.subf %reshape3A, %sub3A_161 : vector<2304x192xf32>
    %add3A_163 = arith.constant 1.000000e-03 : f32
    %add3A_164 = vector.broadcast %add3A_163 : f32 to vector<1x192xf32>
    %add3A_165 = arith.addf %div3A_160, %add3A_164 : vector<1x192xf32>
    %rsqrt3A = math.rsqrt %add3A_165 : vector<1x192xf32>
    %mul3A_166 = vector.broadcast %rsqrt3A : vector<1x192xf32> to vector<2304x192xf32>
    %mul3A_167 = arith.mulf %sub3A_162, %mul3A_166 : vector<2304x192xf32>
    %get3A_168 = arith.constant 0 : index
    %get3A_169 = arith.constant 0 : index
    %get3A_170 = vector.load %arg2[%get3A_168, %get3A_169] : memref<1x192xf32, #tpu.memory_space<vmem>>, vector<1x192xf32>
    %mul3A_171 = vector.broadcast %get3A_170 : vector<1x192xf32> to vector<2304x192xf32>
    %mul3A_172 = arith.mulf %mul3A_167, %mul3A_171 : vector<2304x192xf32>
    %get3A_173 = arith.constant 0 : index
    %get3A_174 = arith.constant 0 : index
    %get3A_175 = vector.load %arg3[%get3A_173, %get3A_174] : memref<1x192xf32, #tpu.memory_space<vmem>>, vector<1x192xf32>
    %add3A_176 = vector.broadcast %get3A_175 : vector<1x192xf32> to vector<2304x192xf32>
    %add3A_177 = arith.addf %mul3A_172, %add3A_176 : vector<2304x192xf32>
    %logistic3A = arith.negf %add3A_177 : vector<2304x192xf32>
    %logistic3A_178 = math.exp %logistic3A : vector<2304x192xf32>
    %logistic3A_179 = arith.constant 1.000000e+00 : f32
    %logistic3A_180 = vector.broadcast %logistic3A_179 : f32 to vector<2304x192xf32>
    %logistic3A_181 = arith.addf %logistic3A_180, %logistic3A_178 : vector<2304x192xf32>
    %logistic3A_182 = arith.divf %logistic3A_180, %logistic3A_181 : vector<2304x192xf32>
    %mul3A_183 = arith.mulf %add3A_177, %logistic3A_182 : vector<2304x192xf32>
    %reshape3A_184 = vector.shape_cast %mul3A_183 : vector<2304x192xf32> to vector<4x576x192xf32>
    %reduce_sum3A_185 = arith.constant dense<0.000000e+00> : vector<4x192xf32>
    %reduce_sum3A_186 = vector.multi_reduction <add>, %reshape3A_184, %reduce_sum3A_185 [1] : vector<4x576x192xf32> to vector<4x192xf32>
    %div3A_187 = arith.constant 5.760000e+02 : f32
    %div3A_188 = vector.broadcast %div3A_187 : f32 to vector<4x192xf32>
    %div3A_189 = arith.divf %reduce_sum3A_186, %div3A_188 : vector<4x192xf32>
    %get3A_190 = arith.constant 0 : index
    %get3A_191 = arith.constant 0 : index
    %get3A_192 = vector.load %arg4[%get3A_190, %get3A_191] : memref<48x192xf32, #tpu.memory_space<vmem>>, vector<48x192xf32>
    %dot_general3A = arith.constant dense<0.000000e+00> : vector<4x48xf32>
    %dot_general3A_193 = tpu.matmul %div3A_189, %get3A_192, %dot_general3A {dimension_numbers = #tpu.dot_dimension_numbers<[1], [1], [0], [0], [0, 0, 1, 0], [], []>, transpose_lhs_hint = false} : vector<4x192xf32>, vector<48x192xf32>, vector<4x48xf32> -> vector<4x48xf32>
    %get3A_194 = arith.constant 0 : index
    %get3A_195 = arith.constant 0 : index
    %get3A_196 = vector.load %arg5[%get3A_194, %get3A_195] : memref<1x48xf32, #tpu.memory_space<vmem>>, vector<1x48xf32>
    %add3A_197 = vector.broadcast %get3A_196 : vector<1x48xf32> to vector<4x48xf32>
    %add3A_198 = arith.addf %dot_general3A_193, %add3A_197 : vector<4x48xf32>
    %logistic3A_199 = arith.negf %add3A_198 : vector<4x48xf32>
    %logistic3A_200 = math.exp %logistic3A_199 : vector<4x48xf32>
    %logistic3A_201 = arith.constant 1.000000e+00 : f32
    %logistic3A_202 = vector.broadcast %logistic3A_201 : f32 to vector<4x48xf32>
    %logistic3A_203 = arith.addf %logistic3A_202, %logistic3A_200 : vector<4x48xf32>
    %logistic3A_204 = arith.divf %logistic3A_202, %logistic3A_203 : vector<4x48xf32>
    %mul3A_205 = arith.mulf %add3A_198, %logistic3A_204 : vector<4x48xf32>
    %get3A_206 = arith.constant 0 : index
    %get3A_207 = arith.constant 0 : index
    %get3A_208 = vector.load %arg6[%get3A_206, %get3A_207] : memref<48x192xf32, #tpu.memory_space<vmem>>, vector<48x192xf32>
    %dot_general3A_209 = arith.constant dense<0.000000e+00> : vector<4x192xf32>
    %dot_general3A_210 = tpu.matmul %mul3A_205, %get3A_208, %dot_general3A_209 {dimension_numbers = #tpu.dot_dimension_numbers<[1], [0], [0], [1], [0, 0, 1, 1], [], []>, transpose_lhs_hint = false} : vector<4x48xf32>, vector<48x192xf32>, vector<4x192xf32> -> vector<4x192xf32>
    %get3A_211 = arith.constant 0 : index
    %get3A_212 = arith.constant 0 : index
    %get3A_213 = vector.load %arg7[%get3A_211, %get3A_212] : memref<1x192xf32, #tpu.memory_space<vmem>>, vector<1x192xf32>
    %add3A_214 = vector.broadcast %get3A_213 : vector<1x192xf32> to vector<4x192xf32>
    %add3A_215 = arith.addf %dot_general3A_210, %add3A_214 : vector<4x192xf32>
    %logistic3A_216 = arith.negf %add3A_215 : vector<4x192xf32>
    %logistic3A_217 = math.exp %logistic3A_216 : vector<4x192xf32>
    %logistic3A_218 = arith.constant 1.000000e+00 : f32
    %logistic3A_219 = vector.broadcast %logistic3A_218 : f32 to vector<4x192xf32>
    %logistic3A_220 = arith.addf %logistic3A_219, %logistic3A_217 : vector<4x192xf32>
    %logistic3A_221 = arith.divf %logistic3A_219, %logistic3A_220 : vector<4x192xf32>
    %slice3A_222 = vector.extract_strided_slice %logistic3A_221 {offsets = [0, 0], sizes = [1, 192], strides = [1, 1]} : vector<4x192xf32> to vector<1x192xf32>
    %broadcast_in_dim3A_223 = vector.shape_cast %slice3A_222 : vector<1x192xf32> to vector<1x192xf32>
    %broadcast_in_dim3A_224 = vector.broadcast %broadcast_in_dim3A_223 : vector<1x192xf32> to vector<576x192xf32>
    %slice3A_225 = vector.extract_strided_slice %logistic3A_221 {offsets = [1, 0], sizes = [1, 192], strides = [1, 1]} : vector<4x192xf32> to vector<1x192xf32>
    %broadcast_in_dim3A_226 = vector.shape_cast %slice3A_225 : vector<1x192xf32> to vector<1x192xf32>
    %broadcast_in_dim3A_227 = vector.broadcast %broadcast_in_dim3A_226 : vector<1x192xf32> to vector<576x192xf32>
    %slice3A_228 = vector.extract_strided_slice %logistic3A_221 {offsets = [2, 0], sizes = [1, 192], strides = [1, 1]} : vector<4x192xf32> to vector<1x192xf32>
    %broadcast_in_dim3A_229 = vector.shape_cast %slice3A_228 : vector<1x192xf32> to vector<1x192xf32>
    %broadcast_in_dim3A_230 = vector.broadcast %broadcast_in_dim3A_229 : vector<1x192xf32> to vector<576x192xf32>
    %slice3A_231 = vector.extract_strided_slice %logistic3A_221 {offsets = [3, 0], sizes = [1, 192], strides = [1, 1]} : vector<4x192xf32> to vector<1x192xf32>
    %broadcast_in_dim3A_232 = vector.shape_cast %slice3A_231 : vector<1x192xf32> to vector<1x192xf32>
    %broadcast_in_dim3A_233 = vector.broadcast %broadcast_in_dim3A_232 : vector<1x192xf32> to vector<576x192xf32>
    %concatenate3A = tpu.concatenate %broadcast_in_dim3A_224, %broadcast_in_dim3A_227, %broadcast_in_dim3A_230, %broadcast_in_dim3A_233 in 0 : vector<576x192xf32>, vector<576x192xf32>, vector<576x192xf32>, vector<576x192xf32> -> vector<2304x192xf32>
    %mul3A_234 = arith.mulf %mul3A_183, %concatenate3A : vector<2304x192xf32>
    %swap3A_235 = arith.constant 0 : index
    %swap3A_236 = arith.constant 0 : index
    %swap3A_237 = vector.load %arg10[%swap3A_235, %swap3A_236] : memref<2304x256xf32, #tpu.memory_space<vmem>>, vector<2304x192xf32>
    tpu.vector_store %arg10[%swap3A_235, %swap3A_236], %mul3A_234 {strides = array<i32>} : memref<2304x256xf32, #tpu.memory_space<vmem>>, vector<2304x192xf32>,
    %get3A_238 = arith.constant 0 : index
    %get3A_239 = arith.constant 0 : index
    %get3A_240 = vector.load %arg8[%get3A_238, %get3A_239] : memref<8x192xf32, #tpu.memory_space<vmem>>, vector<8x192xf32>
    %dot_general3A_241 = arith.constant dense<0.000000e+00> : vector<2304x8xf32>
    %dot_general3A_242 = tpu.matmul %mul3A_234, %get3A_240, %dot_general3A_241 {dimension_numbers = #tpu.dot_dimension_numbers<[1], [1], [0], [0], [0, 0, 1, 0], [], []>, transpose_lhs_hint = false} : vector<2304x192xf32>, vector<8x192xf32>, vector<2304x8xf32> -> vector<2304x8xf32>
    %get3A_243 = arith.constant 0 : index
    %get3A_244 = arith.constant 0 : index
    %get3A_245 = vector.load %arg9[%get3A_243, %get3A_244] : memref<1x8xf32, #tpu.memory_space<vmem>>, vector<1x8xf32>
    %add3A_246 = vector.broadcast %get3A_245 : vector<1x8xf32> to vector<2304x8xf32>
    %add3A_247 = arith.addf %dot_general3A_242, %add3A_246 : vector<2304x8xf32>
    %reduce_max3A = arith.constant dense<0xFF800000> : vector<2304xf32>
    %reduce_max3A_248 = vector.multi_reduction <maximumf>, %add3A_247, %reduce_max3A [1] : vector<2304x8xf32> to vector<2304xf32>
    %broadcast_in_dim3A_249 = vector.shape_cast %reduce_max3A_248 : vector<2304xf32> to vector<2304x1xf32>
    %sub3A_250 = vector.broadcast %broadcast_in_dim3A_249 : vector<2304x1xf32> to vector<2304x8xf32>
    %sub3A_251 = arith.subf %add3A_247, %sub3A_250 : vector<2304x8xf32>
    %exp3A = math.exp %sub3A_251 : vector<2304x8xf32>
    %reduce_sum3A_252 = arith.constant dense<0.000000e+00> : vector<2304xf32>
    %reduce_sum3A_253 = vector.multi_reduction <add>, %exp3A, %reduce_sum3A_252 [1] : vector<2304x8xf32> to vector<2304xf32>
    %broadcast_in_dim3A_254 = vector.shape_cast %reduce_sum3A_253 : vector<2304xf32> to vector<2304x1xf32>
    %div3A_255 = vector.broadcast %broadcast_in_dim3A_254 : vector<2304x1xf32> to vector<2304x8xf32>
    %div3A_256 = arith.divf %exp3A, %div3A_255 : vector<2304x8xf32>
    %reduce_max3A_257 = arith.constant dense<0xFF800000> : vector<2304xf32>
    %reduce_max3A_258 = vector.multi_reduction <maximumf>, %div3A_256, %reduce_max3A_257 [1] : vector<2304x8xf32> to vector<2304xf32>
    %broadcast_in_dim3A_259 = vector.shape_cast %reduce_max3A_258 : vector<2304xf32> to vector<2304x1xf32>
    %iota3A = tpu.iota {dimensions = array<i32: 1>} : vector<2304x8xi32>
    %eq3A = vector.broadcast %broadcast_in_dim3A_259 : vector<2304x1xf32> to vector<2304x8xf32>
    %eq3A_260 = arith.cmpf oeq, %div3A_256, %eq3A : vector<2304x8xf32>
    %jit3A = arith.constant 8 : i32
    %broadcast_in_dim3A_261 = vector.broadcast %jit3A : i32 to vector<2304x8xi32>
    %select_n3A = arith.select %eq3A_260, %iota3A, %broadcast_in_dim3A_261 : vector<2304x8xi1>, vector<2304x8xi32>
    %reduce_min3A = arith.constant dense<2147483647> : vector<2304xi32>
    %reduce_min3A_262 = vector.multi_reduction <minsi>, %select_n3A, %reduce_min3A [1] : vector<2304x8xi32> to vector<2304xi32>
    %broadcast_in_dim3A_263 = vector.shape_cast %reduce_min3A_262 : vector<2304xi32> to vector<2304x1xi32>
    %eq3A_264 = vector.broadcast %broadcast_in_dim3A_263 : vector<2304x1xi32> to vector<2304x8xi32>
    %eq3A_265 = arith.cmpi eq, %iota3A, %eq3A_264 : vector<2304x8xi32>
    %convert_element_type3A = arith.extui %eq3A_265 : vector<2304x8xi1> to vector<2304x8xi32>
    %convert_element_type3A_266 = arith.sitofp %convert_element_type3A : vector<2304x8xi32> to vector<2304x8xf32>
    %reduce_sum3A_267 = arith.constant dense<0.000000e+00> : vector<8xf32>
    %reduce_sum3A_268 = vector.multi_reduction <add>, %convert_element_type3A_266, %reduce_sum3A_267 [0] : vector<2304x8xf32> to vector<8xf32>
    %broadcast_in_dim3A_269 = vector.shape_cast %reduce_sum3A_268 : vector<8xf32> to vector<1x8xf32>
    %reduce_sum3A_270 = arith.constant dense<0.000000e+00> : vector<8xf32>
    %reduce_sum3A_271 = vector.multi_reduction <add>, %div3A_256, %reduce_sum3A_270 [0] : vector<2304x8xf32> to vector<8xf32>
    %broadcast_in_dim3A_272 = vector.shape_cast %reduce_sum3A_271 : vector<8xf32> to vector<1x8xf32>
    %div3A_273 = arith.constant 2.304000e+03 : f32
    %div3A_274 = vector.broadcast %div3A_273 : f32 to vector<1x8xf32>
    %div3A_275 = arith.divf %broadcast_in_dim3A_272, %div3A_274 : vector<1x8xf32>
    %mul3A_276 = arith.mulf %div3A_275, %broadcast_in_dim3A_269 : vector<1x8xf32>
    %mul3A_277 = arith.constant 4.34027781E-4 : f32
    %mul3A_278 = vector.broadcast %mul3A_277 : f32 to vector<1x8xf32>
    %mul3A_279 = arith.mulf %mul3A_276, %mul3A_278 : vector<1x8xf32>
    %reduce_sum3A_280 = vector.shape_cast %mul3A_279 : vector<1x8xf32> to vector<1x1x8xf32>
    %reduce_sum3A_281 = arith.constant dense<0.000000e+00> : vector<1xf32>
    %reduce_sum3A_282 = vector.multi_reduction <add>, %reduce_sum3A_280, %reduce_sum3A_281 [1, 2] : vector<1x1x8xf32> to vector<1xf32>
    %reduce_sum3A_283 = vector.shape_cast %reduce_sum3A_282 : vector<1xf32> to vector<1x1x1xf32>
    %reduce_sum3A_284 = vector.extract %reduce_sum3A_283[0, 0, 0] : f32 from vector<1x1x1xf32>
    %mul3A_285 = arith.constant 8.000000e+00 : f32
    %mul3A_286 = arith.mulf %mul3A_285, %reduce_sum3A_284 : f32
    %reshape3A_287 = vector.broadcast %mul3A_286 : f32 to vector<1x1xf32>
    %swap3A_288 = arith.constant 0 : index
    %swap3A_289 = arith.constant 0 : index
    %swap3A_290 = vector.load %arg14[%swap3A_288, %swap3A_289] : memref<1x1xf32, #tpu.memory_space<vmem>>, vector<1x1xf32>
    tpu.vector_store %arg14[%swap3A_288, %swap3A_289], %reshape3A_287 {strides = array<i32>} : memref<1x1xf32, #tpu.memory_space<vmem>>, vector<1x1xf32>,
    %add3A_291 = arith.constant 2.550000e+02 : f32
    %add3A_292 = vector.broadcast %add3A_291 : f32 to vector<1x8xf32>
    %add3A_293 = arith.addf %broadcast_in_dim3A_269, %add3A_292 : vector<1x8xf32>
    %mul3A_294 = arith.constant 3.906250e-03 : f32
    %mul3A_295 = vector.broadcast %mul3A_294 : f32 to vector<1x8xf32>
    %mul3A_296 = arith.mulf %add3A_293, %mul3A_295 : vector<1x8xf32>
    %floor3A = math.floor %mul3A_296 : vector<1x8xf32>
    %mul3A_297 = arith.constant 2.560000e+02 : f32
    %mul3A_298 = vector.broadcast %mul3A_297 : f32 to vector<1x8xf32>
    %mul3A_299 = arith.mulf %floor3A, %mul3A_298 : vector<1x8xf32>
    %iota3A_300 = tpu.iota {dimensions = array<i32: 0>} : vector<8x8xi32>
    %iota3A_301 = tpu.iota {dimensions = array<i32: 1>} : vector<8x8xi32>
    %lt3A = arith.cmpi slt, %iota3A_300, %iota3A_301 : vector<8x8xi32>
    %convert_element_type3A_302 = arith.extui %lt3A : vector<8x8xi1> to vector<8x8xi32>
    %convert_element_type3A_303 = arith.sitofp %convert_element_type3A_302 : vector<8x8xi32> to vector<8x8xf32>
    %dot_general3A_304 = arith.constant dense<0.000000e+00> : vector<1x8xf32>
    %dot_general3A_305 = tpu.matmul %mul3A_299, %convert_element_type3A_303, %dot_general3A_304 {dimension_numbers = #tpu.dot_dimension_numbers<[1], [0], [0], [1], [0, 0, 1, 1], [], []>, transpose_lhs_hint = false} : vector<1x8xf32>, vector<8x8xf32>, vector<1x8xf32> -> vector<1x8xf32>
    %add3A_306 = arith.addf %dot_general3A_305, %mul3A_299 : vector<1x8xf32>
    %iota3A_307 = tpu.iota {dimensions = array<i32: 0>} : vector<16x8xi32>
    %convert_element_type3A_308 = arith.sitofp %iota3A_307 : vector<16x8xi32> to vector<16x8xf32>
    %mul3A_309 = arith.constant 2.560000e+02 : f32
    %mul3A_310 = vector.broadcast %mul3A_309 : f32 to vector<16x8xf32>
    %mul3A_311 = arith.mulf %convert_element_type3A_308, %mul3A_310 : vector<16x8xf32>
    %le3A = vector.broadcast %add3A_306 : vector<1x8xf32> to vector<16x8xf32>
    %le3A_312 = arith.cmpf ole, %le3A, %mul3A_311 : vector<16x8xf32>
    %convert_element_type3A_313 = arith.extui %le3A_312 : vector<16x8xi1> to vector<16x8xi32>
    %convert_element_type3A_314 = arith.sitofp %convert_element_type3A_313 : vector<16x8xi32> to vector<16x8xf32>
    %reduce_sum3A_315 = arith.constant dense<0.000000e+00> : vector<16xf32>
    %reduce_sum3A_316 = vector.multi_reduction <add>, %convert_element_type3A_314, %reduce_sum3A_315 [1] : vector<16x8xf32> to vector<16xf32>
    %broadcast_in_dim3A_317 = vector.shape_cast %reduce_sum3A_316 : vector<16xf32> to vector<16x1xf32>
    %min3A = arith.constant 7.000000e+00 : f32
    %min3A_318 = vector.broadcast %min3A : f32 to vector<16x1xf32>
    %min3A_319 = arith.minimumf %broadcast_in_dim3A_317, %min3A_318 : vector<16x1xf32>
    %convert_element_type3A_320 = arith.fptosi %min3A_319 : vector<16x1xf32> to vector<16x1xi32>
    %reshape3A_321 = vector.shape_cast %convert_element_type3A_320 : vector<16x1xi32> to vector<16xi32>
    %swap3A_322 = arith.constant 0 : index
    %swap3A_323 = vector.load %arg13[%swap3A_322] : memref<16xi32, #tpu.memory_space<vmem>>, vector<16xi32>
    tpu.vector_store %arg13[%swap3A_322], %reshape3A_321 {strides = array<i32>} : memref<16xi32, #tpu.memory_space<vmem>>, vector<16xi32>,
    %iota3A_324 = tpu.iota {dimensions = array<i32: 0>} : vector<128x128xi32>
    %iota3A_325 = tpu.iota {dimensions = array<i32: 1>} : vector<128x128xi32>
    %ge3A = arith.cmpi sge, %iota3A_324, %iota3A_325 : vector<128x128xi32>
    %convert_element_type3A_326 = arith.extui %ge3A : vector<128x128xi1> to vector<128x128xi32>
    %convert_element_type3A_327 = arith.sitofp %convert_element_type3A_326 : vector<128x128xi32> to vector<128x128xf32>
    %broadcast_in_dim3A_328 = arith.constant 0.000000e+00 : f32
    %broadcast_in_dim3A_329 = vector.broadcast %broadcast_in_dim3A_328 : f32 to vector<1x8xf32>
    %slice3A_330 = vector.extract_strided_slice %convert_element_type3A_266 {offsets = [0, 0], sizes = [128, 8], strides = [1, 1]} : vector<2304x8xf32> to vector<128x8xf32>
    %dot_general3A_331 = arith.constant dense<0.000000e+00> : vector<128x8xf32>
    %dot_general3A_332 = tpu.matmul %convert_element_type3A_327, %slice3A_330, %dot_general3A_331 {dimension_numbers = #tpu.dot_dimension_numbers<[1], [0], [0], [1], [0, 0, 1, 1], [], []>, transpose_lhs_hint = false} : vector<128x128xf32>, vector<128x8xf32>, vector<128x8xf32> -> vector<128x8xf32>
    %add3A_333 = vector.broadcast %broadcast_in_dim3A_329 : vector<1x8xf32> to vector<128x8xf32>
    %add3A_334 = arith.addf %dot_general3A_332, %add3A_333 : vector<128x8xf32>
    %add3A_335 = vector.broadcast %dot_general3A_305 : vector<1x8xf32> to vector<128x8xf32>
    %add3A_336 = arith.addf %add3A_335, %add3A_334 : vector<128x8xf32>
    %sub3A_337 = arith.constant 1.000000e+00 : f32
    %sub3A_338 = vector.broadcast %sub3A_337 : f32 to vector<128x8xf32>
    %sub3A_339 = arith.subf %add3A_336, %sub3A_338 : vector<128x8xf32>
    %mul3A_340 = arith.mulf %slice3A_330, %sub3A_339 : vector<128x8xf32>
    %reduce_sum3A_341 = arith.constant dense<0.000000e+00> : vector<128xf32>
    %reduce_sum3A_342 = vector.multi_reduction <add>, %mul3A_340, %reduce_sum3A_341 [1] : vector<128x8xf32> to vector<128xf32>
    %broadcast_in_dim3A_343 = vector.shape_cast %reduce_sum3A_342 : vector<128xf32> to vector<128x1xf32>
    %reduce_sum3A_344 = arith.constant dense<0.000000e+00> : vector<8xf32>
    %reduce_sum3A_345 = vector.multi_reduction <add>, %slice3A_330, %reduce_sum3A_344 [0] : vector<128x8xf32> to vector<8xf32>
    %broadcast_in_dim3A_346 = vector.shape_cast %reduce_sum3A_345 : vector<8xf32> to vector<1x8xf32>
    %add3A_347 = arith.addf %broadcast_in_dim3A_329, %broadcast_in_dim3A_346 : vector<1x8xf32>
    %slice3A_348 = vector.extract_strided_slice %convert_element_type3A_266 {offsets = [128, 0], sizes = [128, 8], strides = [1, 1]} : vector<2304x8xf32> to vector<128x8xf32>
    %dot_general3A_349 = arith.constant dense<0.000000e+00> : vector<128x8xf32>
    %dot_general3A_350 = tpu.matmul %convert_element_type3A_327, %slice3A_348, %dot_general3A_349 {dimension_numbers = #tpu.dot_dimension_numbers<[1], [0], [0], [1], [0, 0, 1, 1], [], []>, transpose_lhs_hint = false} : vector<128x128xf32>, vector<128x8xf32>, vector<128x8xf32> -> vector<128x8xf32>
    %add3A_351 = vector.broadcast %add3A_347 : vector<1x8xf32> to vector<128x8xf32>
    %add3A_352 = arith.addf %dot_general3A_350, %add3A_351 : vector<128x8xf32>
    %add3A_353 = vector.broadcast %dot_general3A_305 : vector<1x8xf32> to vector<128x8xf32>
    %add3A_354 = arith.addf %add3A_353, %add3A_352 : vector<128x8xf32>
    %sub3A_355 = arith.constant 1.000000e+00 : f32
    %sub3A_356 = vector.broadcast %sub3A_355 : f32 to vector<128x8xf32>
    %sub3A_357 = arith.subf %add3A_354, %sub3A_356 : vector<128x8xf32>
    %mul3A_358 = arith.mulf %slice3A_348, %sub3A_357 : vector<128x8xf32>
    %reduce_sum3A_359 = arith.constant dense<0.000000e+00> : vector<128xf32>
    %reduce_sum3A_360 = vector.multi_reduction <add>, %mul3A_358, %reduce_sum3A_359 [1] : vector<128x8xf32> to vector<128xf32>
    %broadcast_in_dim3A_361 = vector.shape_cast %reduce_sum3A_360 : vector<128xf32> to vector<128x1xf32>
    %reduce_sum3A_362 = arith.constant dense<0.000000e+00> : vector<8xf32>
    %reduce_sum3A_363 = vector.multi_reduction <add>, %slice3A_348, %reduce_sum3A_362 [0] : vector<128x8xf32> to vector<8xf32>
    %broadcast_in_dim3A_364 = vector.shape_cast %reduce_sum3A_363 : vector<8xf32> to vector<1x8xf32>
    %add3A_365 = arith.addf %add3A_347, %broadcast_in_dim3A_364 : vector<1x8xf32>
    %slice3A_366 = vector.extract_strided_slice %convert_element_type3A_266 {offsets = [256, 0], sizes = [128, 8], strides = [1, 1]} : vector<2304x8xf32> to vector<128x8xf32>
    %dot_general3A_367 = arith.constant dense<0.000000e+00> : vector<128x8xf32>
    %dot_general3A_368 = tpu.matmul %convert_element_type3A_327, %slice3A_366, %dot_general3A_367 {dimension_numbers = #tpu.dot_dimension_numbers<[1], [0], [0], [1], [0, 0, 1, 1], [], []>, transpose_lhs_hint = false} : vector<128x128xf32>, vector<128x8xf32>, vector<128x8xf32> -> vector<128x8xf32>
    %add3A_369 = vector.broadcast %add3A_365 : vector<1x8xf32> to vector<128x8xf32>
    %add3A_370 = arith.addf %dot_general3A_368, %add3A_369 : vector<128x8xf32>
    %add3A_371 = vector.broadcast %dot_general3A_305 : vector<1x8xf32> to vector<128x8xf32>
    %add3A_372 = arith.addf %add3A_371, %add3A_370 : vector<128x8xf32>
    %sub3A_373 = arith.constant 1.000000e+00 : f32
    %sub3A_374 = vector.broadcast %sub3A_373 : f32 to vector<128x8xf32>
    %sub3A_375 = arith.subf %add3A_372, %sub3A_374 : vector<128x8xf32>
    %mul3A_376 = arith.mulf %slice3A_366, %sub3A_375 : vector<128x8xf32>
    %reduce_sum3A_377 = arith.constant dense<0.000000e+00> : vector<128xf32>
    %reduce_sum3A_378 = vector.multi_reduction <add>, %mul3A_376, %reduce_sum3A_377 [1] : vector<128x8xf32> to vector<128xf32>
    %broadcast_in_dim3A_379 = vector.shape_cast %reduce_sum3A_378 : vector<128xf32> to vector<128x1xf32>
    %reduce_sum3A_380 = arith.constant dense<0.000000e+00> : vector<8xf32>
    %reduce_sum3A_381 = vector.multi_reduction <add>, %slice3A_366, %reduce_sum3A_380 [0] : vector<128x8xf32> to vector<8xf32>
    %broadcast_in_dim3A_382 = vector.shape_cast %reduce_sum3A_381 : vector<8xf32> to vector<1x8xf32>
    %add3A_383 = arith.addf %add3A_365, %broadcast_in_dim3A_382 : vector<1x8xf32>
    %slice3A_384 = vector.extract_strided_slice %convert_element_type3A_266 {offsets = [384, 0], sizes = [128, 8], strides = [1, 1]} : vector<2304x8xf32> to vector<128x8xf32>
    %dot_general3A_385 = arith.constant dense<0.000000e+00> : vector<128x8xf32>
    %dot_general3A_386 = tpu.matmul %convert_element_type3A_327, %slice3A_384, %dot_general3A_385 {dimension_numbers = #tpu.dot_dimension_numbers<[1], [0], [0], [1], [0, 0, 1, 1], [], []>, transpose_lhs_hint = false} : vector<128x128xf32>, vector<128x8xf32>, vector<128x8xf32> -> vector<128x8xf32>
    %add3A_387 = vector.broadcast %add3A_383 : vector<1x8xf32> to vector<128x8xf32>
    %add3A_388 = arith.addf %dot_general3A_386, %add3A_387 : vector<128x8xf32>
    %add3A_389 = vector.broadcast %dot_general3A_305 : vector<1x8xf32> to vector<128x8xf32>
    %add3A_390 = arith.addf %add3A_389, %add3A_388 : vector<128x8xf32>
    %sub3A_391 = arith.constant 1.000000e+00 : f32
    %sub3A_392 = vector.broadcast %sub3A_391 : f32 to vector<128x8xf32>
    %sub3A_393 = arith.subf %add3A_390, %sub3A_392 : vector<128x8xf32>
    %mul3A_394 = arith.mulf %slice3A_384, %sub3A_393 : vector<128x8xf32>
    %reduce_sum3A_395 = arith.constant dense<0.000000e+00> : vector<128xf32>
    %reduce_sum3A_396 = vector.multi_reduction <add>, %mul3A_394, %reduce_sum3A_395 [1] : vector<128x8xf32> to vector<128xf32>
    %broadcast_in_dim3A_397 = vector.shape_cast %reduce_sum3A_396 : vector<128xf32> to vector<128x1xf32>
    %reduce_sum3A_398 = arith.constant dense<0.000000e+00> : vector<8xf32>
    %reduce_sum3A_399 = vector.multi_reduction <add>, %slice3A_384, %reduce_sum3A_398 [0] : vector<128x8xf32> to vector<8xf32>
    %broadcast_in_dim3A_400 = vector.shape_cast %reduce_sum3A_399 : vector<8xf32> to vector<1x8xf32>
    %add3A_401 = arith.addf %add3A_383, %broadcast_in_dim3A_400 : vector<1x8xf32>
    %slice3A_402 = vector.extract_strided_slice %convert_element_type3A_266 {offsets = [512, 0], sizes = [128, 8], strides = [1, 1]} : vector<2304x8xf32> to vector<128x8xf32>
    %dot_general3A_403 = arith.constant dense<0.000000e+00> : vector<128x8xf32>
    %dot_general3A_404 = tpu.matmul %convert_element_type3A_327, %slice3A_402, %dot_general3A_403 {dimension_numbers = #tpu.dot_dimension_numbers<[1], [0], [0], [1], [0, 0, 1, 1], [], []>, transpose_lhs_hint = false} : vector<128x128xf32>, vector<128x8xf32>, vector<128x8xf32> -> vector<128x8xf32>
    %add3A_405 = vector.broadcast %add3A_401 : vector<1x8xf32> to vector<128x8xf32>
    %add3A_406 = arith.addf %dot_general3A_404, %add3A_405 : vector<128x8xf32>
    %add3A_407 = vector.broadcast %dot_general3A_305 : vector<1x8xf32> to vector<128x8xf32>
    %add3A_408 = arith.addf %add3A_407, %add3A_406 : vector<128x8xf32>
    %sub3A_409 = arith.constant 1.000000e+00 : f32
    %sub3A_410 = vector.broadcast %sub3A_409 : f32 to vector<128x8xf32>
    %sub3A_411 = arith.subf %add3A_408, %sub3A_410 : vector<128x8xf32>
    %mul3A_412 = arith.mulf %slice3A_402, %sub3A_411 : vector<128x8xf32>
    %reduce_sum3A_413 = arith.constant dense<0.000000e+00> : vector<128xf32>
    %reduce_sum3A_414 = vector.multi_reduction <add>, %mul3A_412, %reduce_sum3A_413 [1] : vector<128x8xf32> to vector<128xf32>
    %broadcast_in_dim3A_415 = vector.shape_cast %reduce_sum3A_414 : vector<128xf32> to vector<128x1xf32>
    %reduce_sum3A_416 = arith.constant dense<0.000000e+00> : vector<8xf32>
    %reduce_sum3A_417 = vector.multi_reduction <add>, %slice3A_402, %reduce_sum3A_416 [0] : vector<128x8xf32> to vector<8xf32>
    %broadcast_in_dim3A_418 = vector.shape_cast %reduce_sum3A_417 : vector<8xf32> to vector<1x8xf32>
    %add3A_419 = arith.addf %add3A_401, %broadcast_in_dim3A_418 : vector<1x8xf32>
    %slice3A_420 = vector.extract_strided_slice %convert_element_type3A_266 {offsets = [640, 0], sizes = [128, 8], strides = [1, 1]} : vector<2304x8xf32> to vector<128x8xf32>
    %dot_general3A_421 = arith.constant dense<0.000000e+00> : vector<128x8xf32>
    %dot_general3A_422 = tpu.matmul %convert_element_type3A_327, %slice3A_420, %dot_general3A_421 {dimension_numbers = #tpu.dot_dimension_numbers<[1], [0], [0], [1], [0, 0, 1, 1], [], []>, transpose_lhs_hint = false} : vector<128x128xf32>, vector<128x8xf32>, vector<128x8xf32> -> vector<128x8xf32>
    %add3A_423 = vector.broadcast %add3A_419 : vector<1x8xf32> to vector<128x8xf32>
    %add3A_424 = arith.addf %dot_general3A_422, %add3A_423 : vector<128x8xf32>
    %add3A_425 = vector.broadcast %dot_general3A_305 : vector<1x8xf32> to vector<128x8xf32>
    %add3A_426 = arith.addf %add3A_425, %add3A_424 : vector<128x8xf32>
    %sub3A_427 = arith.constant 1.000000e+00 : f32
    %sub3A_428 = vector.broadcast %sub3A_427 : f32 to vector<128x8xf32>
    %sub3A_429 = arith.subf %add3A_426, %sub3A_428 : vector<128x8xf32>
    %mul3A_430 = arith.mulf %slice3A_420, %sub3A_429 : vector<128x8xf32>
    %reduce_sum3A_431 = arith.constant dense<0.000000e+00> : vector<128xf32>
    %reduce_sum3A_432 = vector.multi_reduction <add>, %mul3A_430, %reduce_sum3A_431 [1] : vector<128x8xf32> to vector<128xf32>
    %broadcast_in_dim3A_433 = vector.shape_cast %reduce_sum3A_432 : vector<128xf32> to vector<128x1xf32>
    %reduce_sum3A_434 = arith.constant dense<0.000000e+00> : vector<8xf32>
    %reduce_sum3A_435 = vector.multi_reduction <add>, %slice3A_420, %reduce_sum3A_434 [0] : vector<128x8xf32> to vector<8xf32>
    %broadcast_in_dim3A_436 = vector.shape_cast %reduce_sum3A_435 : vector<8xf32> to vector<1x8xf32>
    %add3A_437 = arith.addf %add3A_419, %broadcast_in_dim3A_436 : vector<1x8xf32>
    %slice3A_438 = vector.extract_strided_slice %convert_element_type3A_266 {offsets = [768, 0], sizes = [128, 8], strides = [1, 1]} : vector<2304x8xf32> to vector<128x8xf32>
    %dot_general3A_439 = arith.constant dense<0.000000e+00> : vector<128x8xf32>
    %dot_general3A_440 = tpu.matmul %convert_element_type3A_327, %slice3A_438, %dot_general3A_439 {dimension_numbers = #tpu.dot_dimension_numbers<[1], [0], [0], [1], [0, 0, 1, 1], [], []>, transpose_lhs_hint = false} : vector<128x128xf32>, vector<128x8xf32>, vector<128x8xf32> -> vector<128x8xf32>
    %add3A_441 = vector.broadcast %add3A_437 : vector<1x8xf32> to vector<128x8xf32>
    %add3A_442 = arith.addf %dot_general3A_440, %add3A_441 : vector<128x8xf32>
    %add3A_443 = vector.broadcast %dot_general3A_305 : vector<1x8xf32> to vector<128x8xf32>
    %add3A_444 = arith.addf %add3A_443, %add3A_442 : vector<128x8xf32>
    %sub3A_445 = arith.constant 1.000000e+00 : f32
    %sub3A_446 = vector.broadcast %sub3A_445 : f32 to vector<128x8xf32>
    %sub3A_447 = arith.subf %add3A_444, %sub3A_446 : vector<128x8xf32>
    %mul3A_448 = arith.mulf %slice3A_438, %sub3A_447 : vector<128x8xf32>
    %reduce_sum3A_449 = arith.constant dense<0.000000e+00> : vector<128xf32>
    %reduce_sum3A_450 = vector.multi_reduction <add>, %mul3A_448, %reduce_sum3A_449 [1] : vector<128x8xf32> to vector<128xf32>
    %broadcast_in_dim3A_451 = vector.shape_cast %reduce_sum3A_450 : vector<128xf32> to vector<128x1xf32>
    %reduce_sum3A_452 = arith.constant dense<0.000000e+00> : vector<8xf32>
    %reduce_sum3A_453 = vector.multi_reduction <add>, %slice3A_438, %reduce_sum3A_452 [0] : vector<128x8xf32> to vector<8xf32>
    %broadcast_in_dim3A_454 = vector.shape_cast %reduce_sum3A_453 : vector<8xf32> to vector<1x8xf32>
    %add3A_455 = arith.addf %add3A_437, %broadcast_in_dim3A_454 : vector<1x8xf32>
    %slice3A_456 = vector.extract_strided_slice %convert_element_type3A_266 {offsets = [896, 0], sizes = [128, 8], strides = [1, 1]} : vector<2304x8xf32> to vector<128x8xf32>
    %dot_general3A_457 = arith.constant dense<0.000000e+00> : vector<128x8xf32>
    %dot_general3A_458 = tpu.matmul %convert_element_type3A_327, %slice3A_456, %dot_general3A_457 {dimension_numbers = #tpu.dot_dimension_numbers<[1], [0], [0], [1], [0, 0, 1, 1], [], []>, transpose_lhs_hint = false} : vector<128x128xf32>, vector<128x8xf32>, vector<128x8xf32> -> vector<128x8xf32>
    %add3A_459 = vector.broadcast %add3A_455 : vector<1x8xf32> to vector<128x8xf32>
    %add3A_460 = arith.addf %dot_general3A_458, %add3A_459 : vector<128x8xf32>
    %add3A_461 = vector.broadcast %dot_general3A_305 : vector<1x8xf32> to vector<128x8xf32>
    %add3A_462 = arith.addf %add3A_461, %add3A_460 : vector<128x8xf32>
    %sub3A_463 = arith.constant 1.000000e+00 : f32
    %sub3A_464 = vector.broadcast %sub3A_463 : f32 to vector<128x8xf32>
    %sub3A_465 = arith.subf %add3A_462, %sub3A_464 : vector<128x8xf32>
    %mul3A_466 = arith.mulf %slice3A_456, %sub3A_465 : vector<128x8xf32>
    %reduce_sum3A_467 = arith.constant dense<0.000000e+00> : vector<128xf32>
    %reduce_sum3A_468 = vector.multi_reduction <add>, %mul3A_466, %reduce_sum3A_467 [1] : vector<128x8xf32> to vector<128xf32>
    %broadcast_in_dim3A_469 = vector.shape_cast %reduce_sum3A_468 : vector<128xf32> to vector<128x1xf32>
    %reduce_sum3A_470 = arith.constant dense<0.000000e+00> : vector<8xf32>
    %reduce_sum3A_471 = vector.multi_reduction <add>, %slice3A_456, %reduce_sum3A_470 [0] : vector<128x8xf32> to vector<8xf32>
    %broadcast_in_dim3A_472 = vector.shape_cast %reduce_sum3A_471 : vector<8xf32> to vector<1x8xf32>
    %add3A_473 = arith.addf %add3A_455, %broadcast_in_dim3A_472 : vector<1x8xf32>
    %slice3A_474 = vector.extract_strided_slice %convert_element_type3A_266 {offsets = [1024, 0], sizes = [128, 8], strides = [1, 1]} : vector<2304x8xf32> to vector<128x8xf32>
    %dot_general3A_475 = arith.constant dense<0.000000e+00> : vector<128x8xf32>
    %dot_general3A_476 = tpu.matmul %convert_element_type3A_327, %slice3A_474, %dot_general3A_475 {dimension_numbers = #tpu.dot_dimension_numbers<[1], [0], [0], [1], [0, 0, 1, 1], [], []>, transpose_lhs_hint = false} : vector<128x128xf32>, vector<128x8xf32>, vector<128x8xf32> -> vector<128x8xf32>
    %add3A_477 = vector.broadcast %add3A_473 : vector<1x8xf32> to vector<128x8xf32>
    %add3A_478 = arith.addf %dot_general3A_476, %add3A_477 : vector<128x8xf32>
    %add3A_479 = vector.broadcast %dot_general3A_305 : vector<1x8xf32> to vector<128x8xf32>
    %add3A_480 = arith.addf %add3A_479, %add3A_478 : vector<128x8xf32>
    %sub3A_481 = arith.constant 1.000000e+00 : f32
    %sub3A_482 = vector.broadcast %sub3A_481 : f32 to vector<128x8xf32>
    %sub3A_483 = arith.subf %add3A_480, %sub3A_482 : vector<128x8xf32>
    %mul3A_484 = arith.mulf %slice3A_474, %sub3A_483 : vector<128x8xf32>
    %reduce_sum3A_485 = arith.constant dense<0.000000e+00> : vector<128xf32>
    %reduce_sum3A_486 = vector.multi_reduction <add>, %mul3A_484, %reduce_sum3A_485 [1] : vector<128x8xf32> to vector<128xf32>
    %broadcast_in_dim3A_487 = vector.shape_cast %reduce_sum3A_486 : vector<128xf32> to vector<128x1xf32>
    %reduce_sum3A_488 = arith.constant dense<0.000000e+00> : vector<8xf32>
    %reduce_sum3A_489 = vector.multi_reduction <add>, %slice3A_474, %reduce_sum3A_488 [0] : vector<128x8xf32> to vector<8xf32>
    %broadcast_in_dim3A_490 = vector.shape_cast %reduce_sum3A_489 : vector<8xf32> to vector<1x8xf32>
    %add3A_491 = arith.addf %add3A_473, %broadcast_in_dim3A_490 : vector<1x8xf32>
    %slice3A_492 = vector.extract_strided_slice %convert_element_type3A_266 {offsets = [1152, 0], sizes = [128, 8], strides = [1, 1]} : vector<2304x8xf32> to vector<128x8xf32>
    %dot_general3A_493 = arith.constant dense<0.000000e+00> : vector<128x8xf32>
    %dot_general3A_494 = tpu.matmul %convert_element_type3A_327, %slice3A_492, %dot_general3A_493 {dimension_numbers = #tpu.dot_dimension_numbers<[1], [0], [0], [1], [0, 0, 1, 1], [], []>, transpose_lhs_hint = false} : vector<128x128xf32>, vector<128x8xf32>, vector<128x8xf32> -> vector<128x8xf32>
    %add3A_495 = vector.broadcast %add3A_491 : vector<1x8xf32> to vector<128x8xf32>
    %add3A_496 = arith.addf %dot_general3A_494, %add3A_495 : vector<128x8xf32>
    %add3A_497 = vector.broadcast %dot_general3A_305 : vector<1x8xf32> to vector<128x8xf32>
    %add3A_498 = arith.addf %add3A_497, %add3A_496 : vector<128x8xf32>
    %sub3A_499 = arith.constant 1.000000e+00 : f32
    %sub3A_500 = vector.broadcast %sub3A_499 : f32 to vector<128x8xf32>
    %sub3A_501 = arith.subf %add3A_498, %sub3A_500 : vector<128x8xf32>
    %mul3A_502 = arith.mulf %slice3A_492, %sub3A_501 : vector<128x8xf32>
    %reduce_sum3A_503 = arith.constant dense<0.000000e+00> : vector<128xf32>
    %reduce_sum3A_504 = vector.multi_reduction <add>, %mul3A_502, %reduce_sum3A_503 [1] : vector<128x8xf32> to vector<128xf32>
    %broadcast_in_dim3A_505 = vector.shape_cast %reduce_sum3A_504 : vector<128xf32> to vector<128x1xf32>
    %reduce_sum3A_506 = arith.constant dense<0.000000e+00> : vector<8xf32>
    %reduce_sum3A_507 = vector.multi_reduction <add>, %slice3A_492, %reduce_sum3A_506 [0] : vector<128x8xf32> to vector<8xf32>
    %broadcast_in_dim3A_508 = vector.shape_cast %reduce_sum3A_507 : vector<8xf32> to vector<1x8xf32>
    %add3A_509 = arith.addf %add3A_491, %broadcast_in_dim3A_508 : vector<1x8xf32>
    %slice3A_510 = vector.extract_strided_slice %convert_element_type3A_266 {offsets = [1280, 0], sizes = [128, 8], strides = [1, 1]} : vector<2304x8xf32> to vector<128x8xf32>
    %dot_general3A_511 = arith.constant dense<0.000000e+00> : vector<128x8xf32>
    %dot_general3A_512 = tpu.matmul %convert_element_type3A_327, %slice3A_510, %dot_general3A_511 {dimension_numbers = #tpu.dot_dimension_numbers<[1], [0], [0], [1], [0, 0, 1, 1], [], []>, transpose_lhs_hint = false} : vector<128x128xf32>, vector<128x8xf32>, vector<128x8xf32> -> vector<128x8xf32>
    %add3A_513 = vector.broadcast %add3A_509 : vector<1x8xf32> to vector<128x8xf32>
    %add3A_514 = arith.addf %dot_general3A_512, %add3A_513 : vector<128x8xf32>
    %add3A_515 = vector.broadcast %dot_general3A_305 : vector<1x8xf32> to vector<128x8xf32>
    %add3A_516 = arith.addf %add3A_515, %add3A_514 : vector<128x8xf32>
    %sub3A_517 = arith.constant 1.000000e+00 : f32
    %sub3A_518 = vector.broadcast %sub3A_517 : f32 to vector<128x8xf32>
    %sub3A_519 = arith.subf %add3A_516, %sub3A_518 : vector<128x8xf32>
    %mul3A_520 = arith.mulf %slice3A_510, %sub3A_519 : vector<128x8xf32>
    %reduce_sum3A_521 = arith.constant dense<0.000000e+00> : vector<128xf32>
    %reduce_sum3A_522 = vector.multi_reduction <add>, %mul3A_520, %reduce_sum3A_521 [1] : vector<128x8xf32> to vector<128xf32>
    %broadcast_in_dim3A_523 = vector.shape_cast %reduce_sum3A_522 : vector<128xf32> to vector<128x1xf32>
    %reduce_sum3A_524 = arith.constant dense<0.000000e+00> : vector<8xf32>
    %reduce_sum3A_525 = vector.multi_reduction <add>, %slice3A_510, %reduce_sum3A_524 [0] : vector<128x8xf32> to vector<8xf32>
    %broadcast_in_dim3A_526 = vector.shape_cast %reduce_sum3A_525 : vector<8xf32> to vector<1x8xf32>
    %add3A_527 = arith.addf %add3A_509, %broadcast_in_dim3A_526 : vector<1x8xf32>
    %slice3A_528 = vector.extract_strided_slice %convert_element_type3A_266 {offsets = [1408, 0], sizes = [128, 8], strides = [1, 1]} : vector<2304x8xf32> to vector<128x8xf32>
    %dot_general3A_529 = arith.constant dense<0.000000e+00> : vector<128x8xf32>
    %dot_general3A_530 = tpu.matmul %convert_element_type3A_327, %slice3A_528, %dot_general3A_529 {dimension_numbers = #tpu.dot_dimension_numbers<[1], [0], [0], [1], [0, 0, 1, 1], [], []>, transpose_lhs_hint = false} : vector<128x128xf32>, vector<128x8xf32>, vector<128x8xf32> -> vector<128x8xf32>
    %add3A_531 = vector.broadcast %add3A_527 : vector<1x8xf32> to vector<128x8xf32>
    %add3A_532 = arith.addf %dot_general3A_530, %add3A_531 : vector<128x8xf32>
    %add3A_533 = vector.broadcast %dot_general3A_305 : vector<1x8xf32> to vector<128x8xf32>
    %add3A_534 = arith.addf %add3A_533, %add3A_532 : vector<128x8xf32>
    %sub3A_535 = arith.constant 1.000000e+00 : f32
    %sub3A_536 = vector.broadcast %sub3A_535 : f32 to vector<128x8xf32>
    %sub3A_537 = arith.subf %add3A_534, %sub3A_536 : vector<128x8xf32>
    %mul3A_538 = arith.mulf %slice3A_528, %sub3A_537 : vector<128x8xf32>
    %reduce_sum3A_539 = arith.constant dense<0.000000e+00> : vector<128xf32>
    %reduce_sum3A_540 = vector.multi_reduction <add>, %mul3A_538, %reduce_sum3A_539 [1] : vector<128x8xf32> to vector<128xf32>
    %broadcast_in_dim3A_541 = vector.shape_cast %reduce_sum3A_540 : vector<128xf32> to vector<128x1xf32>
    %reduce_sum3A_542 = arith.constant dense<0.000000e+00> : vector<8xf32>
    %reduce_sum3A_543 = vector.multi_reduction <add>, %slice3A_528, %reduce_sum3A_542 [0] : vector<128x8xf32> to vector<8xf32>
    %broadcast_in_dim3A_544 = vector.shape_cast %reduce_sum3A_543 : vector<8xf32> to vector<1x8xf32>
    %add3A_545 = arith.addf %add3A_527, %broadcast_in_dim3A_544 : vector<1x8xf32>
    %slice3A_546 = vector.extract_strided_slice %convert_element_type3A_266 {offsets = [1536, 0], sizes = [128, 8], strides = [1, 1]} : vector<2304x8xf32> to vector<128x8xf32>
    %dot_general3A_547 = arith.constant dense<0.000000e+00> : vector<128x8xf32>
    %dot_general3A_548 = tpu.matmul %convert_element_type3A_327, %slice3A_546, %dot_general3A_547 {dimension_numbers = #tpu.dot_dimension_numbers<[1], [0], [0], [1], [0, 0, 1, 1], [], []>, transpose_lhs_hint = false} : vector<128x128xf32>, vector<128x8xf32>, vector<128x8xf32> -> vector<128x8xf32>
    %add3A_549 = vector.broadcast %add3A_545 : vector<1x8xf32> to vector<128x8xf32>
    %add3A_550 = arith.addf %dot_general3A_548, %add3A_549 : vector<128x8xf32>
    %add3A_551 = vector.broadcast %dot_general3A_305 : vector<1x8xf32> to vector<128x8xf32>
    %add3A_552 = arith.addf %add3A_551, %add3A_550 : vector<128x8xf32>
    %sub3A_553 = arith.constant 1.000000e+00 : f32
    %sub3A_554 = vector.broadcast %sub3A_553 : f32 to vector<128x8xf32>
    %sub3A_555 = arith.subf %add3A_552, %sub3A_554 : vector<128x8xf32>
    %mul3A_556 = arith.mulf %slice3A_546, %sub3A_555 : vector<128x8xf32>
    %reduce_sum3A_557 = arith.constant dense<0.000000e+00> : vector<128xf32>
    %reduce_sum3A_558 = vector.multi_reduction <add>, %mul3A_556, %reduce_sum3A_557 [1] : vector<128x8xf32> to vector<128xf32>
    %broadcast_in_dim3A_559 = vector.shape_cast %reduce_sum3A_558 : vector<128xf32> to vector<128x1xf32>
    %reduce_sum3A_560 = arith.constant dense<0.000000e+00> : vector<8xf32>
    %reduce_sum3A_561 = vector.multi_reduction <add>, %slice3A_546, %reduce_sum3A_560 [0] : vector<128x8xf32> to vector<8xf32>
    %broadcast_in_dim3A_562 = vector.shape_cast %reduce_sum3A_561 : vector<8xf32> to vector<1x8xf32>
    %add3A_563 = arith.addf %add3A_545, %broadcast_in_dim3A_562 : vector<1x8xf32>
    %slice3A_564 = vector.extract_strided_slice %convert_element_type3A_266 {offsets = [1664, 0], sizes = [128, 8], strides = [1, 1]} : vector<2304x8xf32> to vector<128x8xf32>
    %dot_general3A_565 = arith.constant dense<0.000000e+00> : vector<128x8xf32>
    %dot_general3A_566 = tpu.matmul %convert_element_type3A_327, %slice3A_564, %dot_general3A_565 {dimension_numbers = #tpu.dot_dimension_numbers<[1], [0], [0], [1], [0, 0, 1, 1], [], []>, transpose_lhs_hint = false} : vector<128x128xf32>, vector<128x8xf32>, vector<128x8xf32> -> vector<128x8xf32>
    %add3A_567 = vector.broadcast %add3A_563 : vector<1x8xf32> to vector<128x8xf32>
    %add3A_568 = arith.addf %dot_general3A_566, %add3A_567 : vector<128x8xf32>
    %add3A_569 = vector.broadcast %dot_general3A_305 : vector<1x8xf32> to vector<128x8xf32>
    %add3A_570 = arith.addf %add3A_569, %add3A_568 : vector<128x8xf32>
    %sub3A_571 = arith.constant 1.000000e+00 : f32
    %sub3A_572 = vector.broadcast %sub3A_571 : f32 to vector<128x8xf32>
    %sub3A_573 = arith.subf %add3A_570, %sub3A_572 : vector<128x8xf32>
    %mul3A_574 = arith.mulf %slice3A_564, %sub3A_573 : vector<128x8xf32>
    %reduce_sum3A_575 = arith.constant dense<0.000000e+00> : vector<128xf32>
    %reduce_sum3A_576 = vector.multi_reduction <add>, %mul3A_574, %reduce_sum3A_575 [1] : vector<128x8xf32> to vector<128xf32>
    %broadcast_in_dim3A_577 = vector.shape_cast %reduce_sum3A_576 : vector<128xf32> to vector<128x1xf32>
    %reduce_sum3A_578 = arith.constant dense<0.000000e+00> : vector<8xf32>
    %reduce_sum3A_579 = vector.multi_reduction <add>, %slice3A_564, %reduce_sum3A_578 [0] : vector<128x8xf32> to vector<8xf32>
    %broadcast_in_dim3A_580 = vector.shape_cast %reduce_sum3A_579 : vector<8xf32> to vector<1x8xf32>
    %add3A_581 = arith.addf %add3A_563, %broadcast_in_dim3A_580 : vector<1x8xf32>
    %slice3A_582 = vector.extract_strided_slice %convert_element_type3A_266 {offsets = [1792, 0], sizes = [128, 8], strides = [1, 1]} : vector<2304x8xf32> to vector<128x8xf32>
    %dot_general3A_583 = arith.constant dense<0.000000e+00> : vector<128x8xf32>
    %dot_general3A_584 = tpu.matmul %convert_element_type3A_327, %slice3A_582, %dot_general3A_583 {dimension_numbers = #tpu.dot_dimension_numbers<[1], [0], [0], [1], [0, 0, 1, 1], [], []>, transpose_lhs_hint = false} : vector<128x128xf32>, vector<128x8xf32>, vector<128x8xf32> -> vector<128x8xf32>
    %add3A_585 = vector.broadcast %add3A_581 : vector<1x8xf32> to vector<128x8xf32>
    %add3A_586 = arith.addf %dot_general3A_584, %add3A_585 : vector<128x8xf32>
    %add3A_587 = vector.broadcast %dot_general3A_305 : vector<1x8xf32> to vector<128x8xf32>
    %add3A_588 = arith.addf %add3A_587, %add3A_586 : vector<128x8xf32>
    %sub3A_589 = arith.constant 1.000000e+00 : f32
    %sub3A_590 = vector.broadcast %sub3A_589 : f32 to vector<128x8xf32>
    %sub3A_591 = arith.subf %add3A_588, %sub3A_590 : vector<128x8xf32>
    %mul3A_592 = arith.mulf %slice3A_582, %sub3A_591 : vector<128x8xf32>
    %reduce_sum3A_593 = arith.constant dense<0.000000e+00> : vector<128xf32>
    %reduce_sum3A_594 = vector.multi_reduction <add>, %mul3A_592, %reduce_sum3A_593 [1] : vector<128x8xf32> to vector<128xf32>
    %broadcast_in_dim3A_595 = vector.shape_cast %reduce_sum3A_594 : vector<128xf32> to vector<128x1xf32>
    %reduce_sum3A_596 = arith.constant dense<0.000000e+00> : vector<8xf32>
    %reduce_sum3A_597 = vector.multi_reduction <add>, %slice3A_582, %reduce_sum3A_596 [0] : vector<128x8xf32> to vector<8xf32>
    %broadcast_in_dim3A_598 = vector.shape_cast %reduce_sum3A_597 : vector<8xf32> to vector<1x8xf32>
    %add3A_599 = arith.addf %add3A_581, %broadcast_in_dim3A_598 : vector<1x8xf32>
    %slice3A_600 = vector.extract_strided_slice %convert_element_type3A_266 {offsets = [1920, 0], sizes = [128, 8], strides = [1, 1]} : vector<2304x8xf32> to vector<128x8xf32>
    %dot_general3A_601 = arith.constant dense<0.000000e+00> : vector<128x8xf32>
    %dot_general3A_602 = tpu.matmul %convert_element_type3A_327, %slice3A_600, %dot_general3A_601 {dimension_numbers = #tpu.dot_dimension_numbers<[1], [0], [0], [1], [0, 0, 1, 1], [], []>, transpose_lhs_hint = false} : vector<128x128xf32>, vector<128x8xf32>, vector<128x8xf32> -> vector<128x8xf32>
    %add3A_603 = vector.broadcast %add3A_599 : vector<1x8xf32> to vector<128x8xf32>
    %add3A_604 = arith.addf %dot_general3A_602, %add3A_603 : vector<128x8xf32>
    %add3A_605 = vector.broadcast %dot_general3A_305 : vector<1x8xf32> to vector<128x8xf32>
    %add3A_606 = arith.addf %add3A_605, %add3A_604 : vector<128x8xf32>
    %sub3A_607 = arith.constant 1.000000e+00 : f32
    %sub3A_608 = vector.broadcast %sub3A_607 : f32 to vector<128x8xf32>
    %sub3A_609 = arith.subf %add3A_606, %sub3A_608 : vector<128x8xf32>
    %mul3A_610 = arith.mulf %slice3A_600, %sub3A_609 : vector<128x8xf32>
    %reduce_sum3A_611 = arith.constant dense<0.000000e+00> : vector<128xf32>
    %reduce_sum3A_612 = vector.multi_reduction <add>, %mul3A_610, %reduce_sum3A_611 [1] : vector<128x8xf32> to vector<128xf32>
    %broadcast_in_dim3A_613 = vector.shape_cast %reduce_sum3A_612 : vector<128xf32> to vector<128x1xf32>
    %reduce_sum3A_614 = arith.constant dense<0.000000e+00> : vector<8xf32>
    %reduce_sum3A_615 = vector.multi_reduction <add>, %slice3A_600, %reduce_sum3A_614 [0] : vector<128x8xf32> to vector<8xf32>
    %broadcast_in_dim3A_616 = vector.shape_cast %reduce_sum3A_615 : vector<8xf32> to vector<1x8xf32>
    %add3A_617 = arith.addf %add3A_599, %broadcast_in_dim3A_616 : vector<1x8xf32>
    %slice3A_618 = vector.extract_strided_slice %convert_element_type3A_266 {offsets = [2048, 0], sizes = [128, 8], strides = [1, 1]} : vector<2304x8xf32> to vector<128x8xf32>
    %dot_general3A_619 = arith.constant dense<0.000000e+00> : vector<128x8xf32>
    %dot_general3A_620 = tpu.matmul %convert_element_type3A_327, %slice3A_618, %dot_general3A_619 {dimension_numbers = #tpu.dot_dimension_numbers<[1], [0], [0], [1], [0, 0, 1, 1], [], []>, transpose_lhs_hint = false} : vector<128x128xf32>, vector<128x8xf32>, vector<128x8xf32> -> vector<128x8xf32>
    %add3A_621 = vector.broadcast %add3A_617 : vector<1x8xf32> to vector<128x8xf32>
    %add3A_622 = arith.addf %dot_general3A_620, %add3A_621 : vector<128x8xf32>
    %add3A_623 = vector.broadcast %dot_general3A_305 : vector<1x8xf32> to vector<128x8xf32>
    %add3A_624 = arith.addf %add3A_623, %add3A_622 : vector<128x8xf32>
    %sub3A_625 = arith.constant 1.000000e+00 : f32
    %sub3A_626 = vector.broadcast %sub3A_625 : f32 to vector<128x8xf32>
    %sub3A_627 = arith.subf %add3A_624, %sub3A_626 : vector<128x8xf32>
    %mul3A_628 = arith.mulf %slice3A_618, %sub3A_627 : vector<128x8xf32>
    %reduce_sum3A_629 = arith.constant dense<0.000000e+00> : vector<128xf32>
    %reduce_sum3A_630 = vector.multi_reduction <add>, %mul3A_628, %reduce_sum3A_629 [1] : vector<128x8xf32> to vector<128xf32>
    %broadcast_in_dim3A_631 = vector.shape_cast %reduce_sum3A_630 : vector<128xf32> to vector<128x1xf32>
    %reduce_sum3A_632 = arith.constant dense<0.000000e+00> : vector<8xf32>
    %reduce_sum3A_633 = vector.multi_reduction <add>, %slice3A_618, %reduce_sum3A_632 [0] : vector<128x8xf32> to vector<8xf32>
    %broadcast_in_dim3A_634 = vector.shape_cast %reduce_sum3A_633 : vector<8xf32> to vector<1x8xf32>
    %add3A_635 = arith.addf %add3A_617, %broadcast_in_dim3A_634 : vector<1x8xf32>
    %slice3A_636 = vector.extract_strided_slice %convert_element_type3A_266 {offsets = [2176, 0], sizes = [128, 8], strides = [1, 1]} : vector<2304x8xf32> to vector<128x8xf32>
    %dot_general3A_637 = arith.constant dense<0.000000e+00> : vector<128x8xf32>
    %dot_general3A_638 = tpu.matmul %convert_element_type3A_327, %slice3A_636, %dot_general3A_637 {dimension_numbers = #tpu.dot_dimension_numbers<[1], [0], [0], [1], [0, 0, 1, 1], [], []>, transpose_lhs_hint = false} : vector<128x128xf32>, vector<128x8xf32>, vector<128x8xf32> -> vector<128x8xf32>
    %add3A_639 = vector.broadcast %add3A_635 : vector<1x8xf32> to vector<128x8xf32>
    %add3A_640 = arith.addf %dot_general3A_638, %add3A_639 : vector<128x8xf32>
    %add3A_641 = vector.broadcast %dot_general3A_305 : vector<1x8xf32> to vector<128x8xf32>
    %add3A_642 = arith.addf %add3A_641, %add3A_640 : vector<128x8xf32>
    %sub3A_643 = arith.constant 1.000000e+00 : f32
    %sub3A_644 = vector.broadcast %sub3A_643 : f32 to vector<128x8xf32>
    %sub3A_645 = arith.subf %add3A_642, %sub3A_644 : vector<128x8xf32>
    %mul3A_646 = arith.mulf %slice3A_636, %sub3A_645 : vector<128x8xf32>
    %reduce_sum3A_647 = arith.constant dense<0.000000e+00> : vector<128xf32>
    %reduce_sum3A_648 = vector.multi_reduction <add>, %mul3A_646, %reduce_sum3A_647 [1] : vector<128x8xf32> to vector<128xf32>
    %broadcast_in_dim3A_649 = vector.shape_cast %reduce_sum3A_648 : vector<128xf32> to vector<128x1xf32>
    %concatenate3A_650 = tpu.concatenate %broadcast_in_dim3A_343, %broadcast_in_dim3A_361, %broadcast_in_dim3A_379, %broadcast_in_dim3A_397, %broadcast_in_dim3A_415, %broadcast_in_dim3A_433, %broadcast_in_dim3A_451, %broadcast_in_dim3A_469, %broadcast_in_dim3A_487, %broadcast_in_dim3A_505, %broadcast_in_dim3A_523, %broadcast_in_dim3A_541, %broadcast_in_dim3A_559, %broadcast_in_dim3A_577, %broadcast_in_dim3A_595, %broadcast_in_dim3A_613, %broadcast_in_dim3A_631, %broadcast_in_dim3A_649 in 1 : vector<128x1xf32>, vector<128x1xf32>, vector<128x1xf32>, vector<128x1xf32>, vector<128x1xf32>, vector<128x1xf32>, vector<128x1xf32>, vector<128x1xf32>, vector<128x1xf32>, vector<128x1xf32>, vector<128x1xf32>, vector<128x1xf32>, vector<128x1xf32>, vector<128x1xf32>, vector<128x1xf32>, vector<128x1xf32>, vector<128x1xf32>, vector<128x1xf32> -> vector<128x18xf32>
    %transpose3A = tpu.transpose %concatenate3A_650, [1, 0] : vector<128x18xf32> -> vector<18x128xf32>
    %convert_element_type3A_651 = arith.fptosi %transpose3A : vector<18x128xf32> to vector<18x128xi32>
    %slice3A_652 = vector.extract_strided_slice %convert_element_type3A_651 {offsets = [0, 0], sizes = [1, 128], strides = [1, 1]} : vector<18x128xi32> to vector<1x128xi32>
    %squeeze3A = vector.shape_cast %slice3A_652 : vector<1x128xi32> to vector<128xi32>
    %swap3A_653 = arith.constant 0 : index
    %swap3A_654 = vector.load %arg11[%swap3A_653] : memref<2304xi32, #tpu.memory_space<vmem>>, vector<128xi32>
    tpu.vector_store %arg11[%swap3A_653], %squeeze3A {strides = array<i32>} : memref<2304xi32, #tpu.memory_space<vmem>>, vector<128xi32>,
    %slice3A_655 = vector.extract_strided_slice %convert_element_type3A_651 {offsets = [1, 0], sizes = [1, 128], strides = [1, 1]} : vector<18x128xi32> to vector<1x128xi32>
    %squeeze3A_656 = vector.shape_cast %slice3A_655 : vector<1x128xi32> to vector<128xi32>
    %swap3A_657 = arith.constant 128 : index
    %swap3A_658 = vector.load %arg11[%swap3A_657] : memref<2304xi32, #tpu.memory_space<vmem>>, vector<128xi32>
    tpu.vector_store %arg11[%swap3A_657], %squeeze3A_656 {strides = array<i32>} : memref<2304xi32, #tpu.memory_space<vmem>>, vector<128xi32>,
    %slice3A_659 = vector.extract_strided_slice %convert_element_type3A_651 {offsets = [2, 0], sizes = [1, 128], strides = [1, 1]} : vector<18x128xi32> to vector<1x128xi32>
    %squeeze3A_660 = vector.shape_cast %slice3A_659 : vector<1x128xi32> to vector<128xi32>
    %swap3A_661 = arith.constant 256 : index
    %swap3A_662 = vector.load %arg11[%swap3A_661] : memref<2304xi32, #tpu.memory_space<vmem>>, vector<128xi32>
    tpu.vector_store %arg11[%swap3A_661], %squeeze3A_660 {strides = array<i32>} : memref<2304xi32, #tpu.memory_space<vmem>>, vector<128xi32>,
    %slice3A_663 = vector.extract_strided_slice %convert_element_type3A_651 {offsets = [3, 0], sizes = [1, 128], strides = [1, 1]} : vector<18x128xi32> to vector<1x128xi32>
    %squeeze3A_664 = vector.shape_cast %slice3A_663 : vector<1x128xi32> to vector<128xi32>
    %swap3A_665 = arith.constant 384 : index
    %swap3A_666 = vector.load %arg11[%swap3A_665] : memref<2304xi32, #tpu.memory_space<vmem>>, vector<128xi32>
    tpu.vector_store %arg11[%swap3A_665], %squeeze3A_664 {strides = array<i32>} : memref<2304xi32, #tpu.memory_space<vmem>>, vector<128xi32>,
    %slice3A_667 = vector.extract_strided_slice %convert_element_type3A_651 {offsets = [4, 0], sizes = [1, 128], strides = [1, 1]} : vector<18x128xi32> to vector<1x128xi32>
    %squeeze3A_668 = vector.shape_cast %slice3A_667 : vector<1x128xi32> to vector<128xi32>
    %swap3A_669 = arith.constant 512 : index
    %swap3A_670 = vector.load %arg11[%swap3A_669] : memref<2304xi32, #tpu.memory_space<vmem>>, vector<128xi32>
    tpu.vector_store %arg11[%swap3A_669], %squeeze3A_668 {strides = array<i32>} : memref<2304xi32, #tpu.memory_space<vmem>>, vector<128xi32>,
    %slice3A_671 = vector.extract_strided_slice %convert_element_type3A_651 {offsets = [5, 0], sizes = [1, 128], strides = [1, 1]} : vector<18x128xi32> to vector<1x128xi32>
    %squeeze3A_672 = vector.shape_cast %slice3A_671 : vector<1x128xi32> to vector<128xi32>
    %swap3A_673 = arith.constant 640 : index
    %swap3A_674 = vector.load %arg11[%swap3A_673] : memref<2304xi32, #tpu.memory_space<vmem>>, vector<128xi32>
    tpu.vector_store %arg11[%swap3A_673], %squeeze3A_672 {strides = array<i32>} : memref<2304xi32, #tpu.memory_space<vmem>>, vector<128xi32>,
    %slice3A_675 = vector.extract_strided_slice %convert_element_type3A_651 {offsets = [6, 0], sizes = [1, 128], strides = [1, 1]} : vector<18x128xi32> to vector<1x128xi32>
    %squeeze3A_676 = vector.shape_cast %slice3A_675 : vector<1x128xi32> to vector<128xi32>
    %swap3A_677 = arith.constant 768 : index
    %swap3A_678 = vector.load %arg11[%swap3A_677] : memref<2304xi32, #tpu.memory_space<vmem>>, vector<128xi32>
    tpu.vector_store %arg11[%swap3A_677], %squeeze3A_676 {strides = array<i32>} : memref<2304xi32, #tpu.memory_space<vmem>>, vector<128xi32>,
    %slice3A_679 = vector.extract_strided_slice %convert_element_type3A_651 {offsets = [7, 0], sizes = [1, 128], strides = [1, 1]} : vector<18x128xi32> to vector<1x128xi32>
    %squeeze3A_680 = vector.shape_cast %slice3A_679 : vector<1x128xi32> to vector<128xi32>
    %swap3A_681 = arith.constant 896 : index
    %swap3A_682 = vector.load %arg11[%swap3A_681] : memref<2304xi32, #tpu.memory_space<vmem>>, vector<128xi32>
    tpu.vector_store %arg11[%swap3A_681], %squeeze3A_680 {strides = array<i32>} : memref<2304xi32, #tpu.memory_space<vmem>>, vector<128xi32>,
    %slice3A_683 = vector.extract_strided_slice %convert_element_type3A_651 {offsets = [8, 0], sizes = [1, 128], strides = [1, 1]} : vector<18x128xi32> to vector<1x128xi32>
    %squeeze3A_684 = vector.shape_cast %slice3A_683 : vector<1x128xi32> to vector<128xi32>
    %swap3A_685 = arith.constant 1024 : index
    %swap3A_686 = vector.load %arg11[%swap3A_685] : memref<2304xi32, #tpu.memory_space<vmem>>, vector<128xi32>
    tpu.vector_store %arg11[%swap3A_685], %squeeze3A_684 {strides = array<i32>} : memref<2304xi32, #tpu.memory_space<vmem>>, vector<128xi32>,
    %slice3A_687 = vector.extract_strided_slice %convert_element_type3A_651 {offsets = [9, 0], sizes = [1, 128], strides = [1, 1]} : vector<18x128xi32> to vector<1x128xi32>
    %squeeze3A_688 = vector.shape_cast %slice3A_687 : vector<1x128xi32> to vector<128xi32>
    %swap3A_689 = arith.constant 1152 : index
    %swap3A_690 = vector.load %arg11[%swap3A_689] : memref<2304xi32, #tpu.memory_space<vmem>>, vector<128xi32>
    tpu.vector_store %arg11[%swap3A_689], %squeeze3A_688 {strides = array<i32>} : memref<2304xi32, #tpu.memory_space<vmem>>, vector<128xi32>,
    %slice3A_691 = vector.extract_strided_slice %convert_element_type3A_651 {offsets = [10, 0], sizes = [1, 128], strides = [1, 1]} : vector<18x128xi32> to vector<1x128xi32>
    %squeeze3A_692 = vector.shape_cast %slice3A_691 : vector<1x128xi32> to vector<128xi32>
    %swap3A_693 = arith.constant 1280 : index
    %swap3A_694 = vector.load %arg11[%swap3A_693] : memref<2304xi32, #tpu.memory_space<vmem>>, vector<128xi32>
    tpu.vector_store %arg11[%swap3A_693], %squeeze3A_692 {strides = array<i32>} : memref<2304xi32, #tpu.memory_space<vmem>>, vector<128xi32>,
    %slice3A_695 = vector.extract_strided_slice %convert_element_type3A_651 {offsets = [11, 0], sizes = [1, 128], strides = [1, 1]} : vector<18x128xi32> to vector<1x128xi32>
    %squeeze3A_696 = vector.shape_cast %slice3A_695 : vector<1x128xi32> to vector<128xi32>
    %swap3A_697 = arith.constant 1408 : index
    %swap3A_698 = vector.load %arg11[%swap3A_697] : memref<2304xi32, #tpu.memory_space<vmem>>, vector<128xi32>
    tpu.vector_store %arg11[%swap3A_697], %squeeze3A_696 {strides = array<i32>} : memref<2304xi32, #tpu.memory_space<vmem>>, vector<128xi32>,
    %slice3A_699 = vector.extract_strided_slice %convert_element_type3A_651 {offsets = [12, 0], sizes = [1, 128], strides = [1, 1]} : vector<18x128xi32> to vector<1x128xi32>
    %squeeze3A_700 = vector.shape_cast %slice3A_699 : vector<1x128xi32> to vector<128xi32>
    %swap3A_701 = arith.constant 1536 : index
    %swap3A_702 = vector.load %arg11[%swap3A_701] : memref<2304xi32, #tpu.memory_space<vmem>>, vector<128xi32>
    tpu.vector_store %arg11[%swap3A_701], %squeeze3A_700 {strides = array<i32>} : memref<2304xi32, #tpu.memory_space<vmem>>, vector<128xi32>,
    %slice3A_703 = vector.extract_strided_slice %convert_element_type3A_651 {offsets = [13, 0], sizes = [1, 128], strides = [1, 1]} : vector<18x128xi32> to vector<1x128xi32>
    %squeeze3A_704 = vector.shape_cast %slice3A_703 : vector<1x128xi32> to vector<128xi32>
    %swap3A_705 = arith.constant 1664 : index
    %swap3A_706 = vector.load %arg11[%swap3A_705] : memref<2304xi32, #tpu.memory_space<vmem>>, vector<128xi32>
    tpu.vector_store %arg11[%swap3A_705], %squeeze3A_704 {strides = array<i32>} : memref<2304xi32, #tpu.memory_space<vmem>>, vector<128xi32>,
    %slice3A_707 = vector.extract_strided_slice %convert_element_type3A_651 {offsets = [14, 0], sizes = [1, 128], strides = [1, 1]} : vector<18x128xi32> to vector<1x128xi32>
    %squeeze3A_708 = vector.shape_cast %slice3A_707 : vector<1x128xi32> to vector<128xi32>
    %swap3A_709 = arith.constant 1792 : index
    %swap3A_710 = vector.load %arg11[%swap3A_709] : memref<2304xi32, #tpu.memory_space<vmem>>, vector<128xi32>
    tpu.vector_store %arg11[%swap3A_709], %squeeze3A_708 {strides = array<i32>} : memref<2304xi32, #tpu.memory_space<vmem>>, vector<128xi32>,
    %slice3A_711 = vector.extract_strided_slice %convert_element_type3A_651 {offsets = [15, 0], sizes = [1, 128], strides = [1, 1]} : vector<18x128xi32> to vector<1x128xi32>
    %squeeze3A_712 = vector.shape_cast %slice3A_711 : vector<1x128xi32> to vector<128xi32>
    %swap3A_713 = arith.constant 1920 : index
    %swap3A_714 = vector.load %arg11[%swap3A_713] : memref<2304xi32, #tpu.memory_space<vmem>>, vector<128xi32>
    tpu.vector_store %arg11[%swap3A_713], %squeeze3A_712 {strides = array<i32>} : memref<2304xi32, #tpu.memory_space<vmem>>, vector<128xi32>,
    %slice3A_715 = vector.extract_strided_slice %convert_element_type3A_651 {offsets = [16, 0], sizes = [1, 128], strides = [1, 1]} : vector<18x128xi32> to vector<1x128xi32>
    %squeeze3A_716 = vector.shape_cast %slice3A_715 : vector<1x128xi32> to vector<128xi32>
    %swap3A_717 = arith.constant 2048 : index
    %swap3A_718 = vector.load %arg11[%swap3A_717] : memref<2304xi32, #tpu.memory_space<vmem>>, vector<128xi32>
    tpu.vector_store %arg11[%swap3A_717], %squeeze3A_716 {strides = array<i32>} : memref<2304xi32, #tpu.memory_space<vmem>>, vector<128xi32>,
    %slice3A_719 = vector.extract_strided_slice %convert_element_type3A_651 {offsets = [17, 0], sizes = [1, 128], strides = [1, 1]} : vector<18x128xi32> to vector<1x128xi32>
    %squeeze3A_720 = vector.shape_cast %slice3A_719 : vector<1x128xi32> to vector<128xi32>
    %swap3A_721 = arith.constant 2176 : index
    %swap3A_722 = vector.load %arg11[%swap3A_721] : memref<2304xi32, #tpu.memory_space<vmem>>, vector<128xi32>
    tpu.vector_store %arg11[%swap3A_721], %squeeze3A_720 {strides = array<i32>} : memref<2304xi32, #tpu.memory_space<vmem>>, vector<128xi32>,
    %swap3A_723 = arith.constant 0 : index
    %swap3A_724 = arith.constant 0 : index
    %swap3A_725 = vector.load %arg12[%swap3A_723, %swap3A_724] : memref<2304x1xf32, #tpu.memory_space<vmem>>, vector<2304x1xf32>
    tpu.vector_store %arg12[%swap3A_723, %swap3A_724], %broadcast_in_dim3A_259 {strides = array<i32>} : memref<2304x1xf32, #tpu.memory_space<vmem>>, vector<2304x1xf32>,
    return
  }
}

</mosaic_0001>

<sc_bundles>
// kernel: kernel.10.cloned.1.call-start
scs
__scs_entry_jumppad:
0x0: {  	(pc) =	sbr.rel $0x88, $3  }
0x1: {  	(tag) =	ssettag $0x0;
	lr =	simm.s32 $0x1  }
0x2: {  	[smem:$0x3F91] =	sst lr;
	_ =	strace $0xD0000000  }
0x3: {  	_ = 	snop  }
0x4: {  	_ = 	snop  }
0x5: {  	_ = 	snop  }
0x6: {  	_ = 	snop  }
0x7: {  	_ = 	snop  }
__scs_overlays_trampoline_lowered:
0x8: {  	[smem:$0x3FA0] =	sst s0  }
0x9: {  	[smem:$0x3FA1] =	sst s1  }
0xa: {  	[smem:$0x3FA2] =	sst s2  }
0xb: {  	[smem:$0x3FA3] =	sst s3  }
0xc: {  	[smem:$0x3FA4] =	sst s4  }
0xd: {  	[smem:$0x3FA5] =	sst s5  }
0xe: {  	[smem:$0x3FA6] =	sst s6  }
0xf: {  	[smem:$0x3FA7] =	sst s7  }
0x10: {  	[smem:$0x3FA8] =	sst s8  }
0x11: {  	[smem:$0x3FA9] =	sst s9;
	s0 =	simm.s32 @!p0 $0x0  }
0x12: {  	s1 =	sld [smem:$0x3F8F];
	s0 =	simm.s32 @p0 $0x1  }
0x13: {  	[smem:$0x3FAA] =	sst s0;
	s0 =	simm.s32 @!p1 $0x0  }
0x14: {  	s2 =	sld [smem:$0x3F8E];
	s0 =	simm.s32 @p1 $0x1  }
0x15: {  	[smem:$0x3FAB] =	sst s0;
	s0 =	simm.s32 @!p2 $0x0  }
0x16: {  	s3 =	sld [smem:$0x3FDB];
	s0 =	simm.s32 @p2 $0x1  }
0x17: {  	s4 =	simm.s32 $0x1BF5;
	[smem:$0x3FAD] =	sst s0  }
0x18: {  	s0 =	sld [smem:$0x3F90];
	_ =	swait.ge [sflag:s4], $0x0  }
0x19: {  	s7 =	sld [smem:$0x3F91]  }
0x1a: {  	s8 =	sadd.s32 $0xFFFFE003, lr  }
0x1b: {  	s9 =	sadd.s32 $0xFFFFFEF7, lr;
	s5 =	simm.s32 $0xFFFFFFFF;
	p2 =	slt.u32 s8, $0xFFFFF086  }
0x1c: {  	p1 =	slt.u32 s9, $0xF7A;
	s5 =	simm.s32 @!p2 $0x0  }
0x1d: {  	s5 =	simm.s32 @p1 $0x1;
	p0 =	seq.s32 s7, s2  }
0x1e: {  	s7 =	smul.u32 @!p0 $0xF7A, s2;
	p2 =	seq.s32 @!p0 s5, $0x0  }
0x1f: {  	s9 =	smul.u32 $0xF7A, s1;
	s8 =	simm.s32 @!p0 $0x1BF5;
	p2 =	por !p2, p0  }
0x20: {  	[sflag:s8] =	ssyncset.s32 @!p0 $0xFFFFF086;
	s6 =	sadd.s32 @!p0 s3, s7;
	s7 =	simm.s32 @!p0 $0x108  }
0x21: {  	s3 =	sadd.s32 s3, s9;
	s6 =	sadd.s32 @!p0 $0x88, s6;
	s7 =	simm.s32 @p2 $0x1082  }
0x22: {  	[simem:s7], [sflag:s8] =	dma.local @!p0 [hbm:s6], $0xF7A  }
0x23: {  	s9 =	sor.u32 $0xD0000000, s2;
	s6 =	simm.s32 $0x108;
	_ =	swait.ge @!p0 [sflag:s8], $0x0  }
0x24: {  	s3 =	sadd.s32 $0x88, s3;
	s6 =	simm.s32 @!p1 $0x1082;
	[sflag:s4] =	ssyncset.s32 $0xFFFFF086  }
0x25: {  	[simem:s6], [sflag:s4] =	dma.local [hbm:s3], $0xF7A  }
0x26: {  	[smem:$0x3F91] =	sst s1;
	(tag) =	ssettag s2;
	_ =	strace s9  }
0x27: {  	s1 =	sld [smem:$0x3FA1]  }
0x28: {  	s2 =	sld [smem:$0x3FA2]  }
0x29: {  	s4 =	sld [smem:$0x3FA4]  }
0x2a: {  	p0 =	seq.s32 s5, $0x0;
	s5 =	sld [smem:$0x3FA5]  }
0x2b: {  	s6 =	sld [smem:$0x3FA6]  }
0x2c: {  	s7 =	sld [smem:$0x3FA7]  }
0x2d: {  	s3 =	simm.s32 $0x108;
	s8 =	sld [smem:$0x3FA8]  }
0x2e: {  	s3 =	simm.s32 @!p0 $0x1082;
	s9 =	sld [smem:$0x3FA9]  }
0x2f: {  	lr =	sadd.s32 s0, s3;
	s0 =	sld [smem:$0x3FA0]  }
0x30: {  	s3 =	sld [smem:$0x3FA3]  }
0x31: {  	[smem:$0x3FAC] =	sst s10  }
0x32: {  	s10 =	sld [smem:$0x3FAA];
	_ =	sdelay $0x3  }
0x33: {  	p0 =	seq.s32 s10, $0x1;
	s10 =	sld [smem:$0x3FAC];
	_ =	sdelay $0x3  }
0x34: {  	[smem:$0x3FAC] =	sst s10  }
0x35: {  	s10 =	sld [smem:$0x3FAB];
	_ =	sdelay $0x3  }
0x36: {  	p1 =	seq.s32 s10, $0x1;
	s10 =	sld [smem:$0x3FAC];
	_ =	sdelay $0x3  }
0x37: {  	[smem:$0x3FAC] =	sst s10  }
0x38: {  	s10 =	sld [smem:$0x3FAD]  }
0x39: {  	_ = 	snop;
	(pc) =	sbr.ind lr, $3  }
0x3a: {  	_ = 	snop  }
0x3b: {  	_ = 	snop  }
0x3c: {  	p2 =	seq.s32 s10, $0x1;
	s10 =	sld [smem:$0x3FAC]  }
0x3d: {  	_ =	shalt  }
0x3e: {  	_ =	shalt  }
0x3f: {  	_ =	shalt  }
0x40: {  	_ =	shalt  }
0x41: {  	_ =	shalt  }
0x42: {  	_ =	shalt  }
0x43: {  	_ =	shalt  }
0x44: {  	_ =	shalt  }
0x45: {  	_ =	shalt  }
0x46: {  	_ =	shalt  }
0x47: {  	_ =	shalt  }
0x48: {  	_ =	shalt  }
0x49: {  	_ =	shalt  }
0x4a: {  	_ =	shalt  }
0x4b: {  	_ =	shalt  }
0x4c: {  	_ =	shalt  }
0x4d: {  	_ =	shalt  }
0x4e: {  	_ =	shalt  }
0x4f: {  	_ =	shalt  }
0x50: {  	_ =	shalt  }
0x51: {  	_ =	shalt  }
0x52: {  	_ =	shalt  }
0x53: {  	_ =	shalt  }
0x54: {  	_ =	shalt  }
0x55: {  	_ =	shalt  }
0x56: {  	_ =	shalt  }
0x57: {  	_ =	shalt  }
0x58: {  	_ =	shalt  }
0x59: {  	_ =	shalt  }
0x5a: {  	_ =	shalt  }
0x5b: {  	_ =	shalt  }
0x5c: {  	_ =	shalt  }
0x5d: {  	_ =	shalt  }
0x5e: {  	_ =	shalt  }
0x5f: {  	_ =	shalt  }
0x60: {  	_ =	shalt  }
0x61: {  	_ =	shalt  }
0x62: {  	_ =	shalt  }
0x63: {  	_ =	shalt  }
0x64: {  	_ =	shalt  }
0x65: {  	_ =	shalt  }
0x66: {  	_ =	shalt  }
0x67: {  	_ =	shalt  }
0x68: {  	_ =	shalt  }
0x69: {  	_ =	shalt  }
0x6a: {  	_ =	shalt  }
0x6b: {  	_ =	shalt  }
0x6c: {  	_ =	shalt  }
0x6d: {  	_ =	shalt  }
0x6e: {  	_ =	shalt  }
0x6f: {  	_ =	shalt  }
0x70: {  	_ =	shalt  }
0x71: {  	_ =	shalt  }
0x72: {  	_ =	shalt  }
0x73: {  	_ =	shalt  }
0x74: {  	_ =	shalt  }
0x75: {  	_ =	shalt  }
0x76: {  	_ =	shalt  }
0x77: {  	_ =	shalt  }
0x78: {  	_ =	shalt  }
0x79: {  	_ =	shalt  }
0x7a: {  	_ =	shalt  }
0x7b: {  	_ =	shalt  }
0x7c: {  	_ =	shalt  }
0x7d: {  	_ =	shalt  }
0x7e: {  	_ =	shalt  }
0x7f: {  	_ =	shalt  }
0x80: {  	_ =	shalt  }
0x81: {  	_ =	shalt  }
0x82: {  	_ =	shalt  }
0x83: {  	_ =	shalt  }
0x84: {  	_ =	shalt  }
0x85: {  	_ =	shalt  }
0x86: {  	_ =	shalt  }
0x87: {  	_ =	shalt  }
.Lfunc_end0:
.L_simem_size_0:
called_computation.1_lowered:
.L_overlay_start_0:
0x88: {  	s2 =	sld [smem:$0x3FD9]  }
0x89: {  	s3 =	sld [smem:$0x3FFE];
	_ =	sdelay $0x1  }
0x8a: {  	s1 =	srdreg.scid  }
0x8b: {  	s0 =	sand.u32 $0x1, s1  }
0x8c: {  	s14 =	sshll.u32 s0, $0xA;
	s2 =	sadd.s32 s3, s2  }
0x8d: {  	s2 =	sadd.s32 s2, s14  }
0x8e: {  	[smem:$0x3FB8] =	sst s2  }
0x8f: {  	_ = 	snop  }
0x90: {  	s2 =	sld [smem:$0x3FD0];
	_ =	sdelay $0x2  }
0x91: {  	s15 =	simm.s32 $0xA;
	s4 =	simm.s32 $0x10  }
0x92: {  	[smem:s4], [sflag:s15] =	dma.local [hbm:s2], $0x1  }
0x93: {  	_ =	swait.eq [sflag:s15], $0x1  }
0x94: {  	[sflag:s15] =	ssyncset.done $0x0  }
0x95: {  	[sflag:s15] =	ssyncadd.s32 $0xFFFFFFFF  }
0x96: {  	s16 =	sld [smem:$0x10];
	(tm) =	ssettm $0x1  }
0x97: {  	s17 =	sld [smem:$0x3FFB];
	_ =	sdelay $0x3  }
0x98: {  	_ =	strace s17  }
0x99: {  	s3 =	sld [smem:$0x3FFC];
	_ =	sdelay $0x3  }
0x9a: {  	_ =	strace s3  }
0x9b: {  	s3 =	sld [smem:$0x3FFD];
	_ =	sdelay $0x3  }
0x9c: {  	_ =	strace s3  }
0x9d: {  	_ =	strace $0x8FFFFFFF  }
0x9e: {  	s18 =	sld [smem:$0x3FDB];
	_ =	sdelay $0x1  }
0x9f: {  	s19 =	simm.s32 $_scs_section_size  }
0xa0: {  	s5 =	simm.s32 $_size__tile_overlayer_lowered;
	s6 =	simm.s32 $_tile_overlayer_lowered  }
0xa1: {  	s22 =	simm.s32 $0x1BFF;
	s21 =	sshll.u32 s6, $0x1;
	s3 =	sadd.s32 s19, s18  }
0xa2: {  	s7 =	simm.s32 $0x0;
	s20 =	sshll.u32 s5, $0x1;
	s5 =	sadd.s32 s21, s3  }
0xa3: {  	[timem:s7], [sflag:s22] =	dma.local [hbm:s5], s20  }
0xa4: {  	_ =	swait.ge [sflag:s22], s20  }
0xa5: {  	s4 =	ssub.s32 $0x0, s20;
	[sflag:s22] =	ssyncset.done $0x0  }
0xa6: {  	[sflag:s22] =	ssyncadd.s32 s4;
	_ =	sdelay $0x1  }
0xa7: {  	s23 =	simm.s32 $0x1B8B  }
0xa8: {  	_ =	swait.ge [sflag:s23], $0x1  }
0xa9: {  	[sflag:s23] =	ssyncset.done $0x0  }
0xaa: {  	s25 =	simm.s32 $0x1B8E;
	s24 =	sld [smem:$0x3FFE];
	[sflag:s23] =	ssyncadd.s32 $0xFFFFFFFF  }
0xab: {  	s26 =	simm.s32 $execute0_lowered;
	[smem:$0x3FD2] =	sst s25  }
0xac: {  	s5 =	sshll.u32 s26, $0x1;
	_ =	strace $0x80000049;
	[dreg:$0x1] =	wrdreg $0xFFFFFFFF  }
0xad: {  	s28 =	simm.s32 $_size_execute0_lowered;
	s3 =	sadd.s32 s3, s5;
	[dreg:$0x0] =	wrdreg $0x0  }
0xae: {  	s5 =	sshll.u32 s28, $0x1;
	[dreg:$0x2] =	wrdreg s3  }
0xaf: {  	[dreg:$0x3] =	wrdreg s5  }
0xb0: {  	[dreg:$0x4] =	wrdreg $0xC0  }
0xb1: {  	_ =	task [dreg:s7], $0x5FFFF  }
0xb2: {  	[dreg:$0x1] =	wrdreg $0xFFFFFFFF  }
0xb3: {  	[dreg:$0x0] =	wrdreg $0x60  }
0xb4: {  	[dreg:$0x2] =	wrdreg s24  }
0xb5: {  	[dreg:$0x3] =	wrdreg s16  }
0xb6: {  	[dreg:$0x4] =	wrdreg $0x9  }
0xb7: {  	_ =	task.clear_ibuf [dreg:s7], $0x5FFFF;
	_ =	strace $0x90000049  }
0xb8: {  	s29 =	simm.s32 $0x9;
	_ =	strace $0x8000004B  }
0xb9: {  	_ =	swait.ge [sflag:s29], $0x1  }
0xba: {  	[sflag:s29] =	ssyncadd.s32 $0xFFFFFFFF  }
0xbb: {  	_ =	strace $0x9000004B  }
0xbc: {  	_ =	sfence  }
0xbd: {  	s30 =	sld [smem:$0x0];
	_ =	sdelay $0x2  }
0xbe: {  	s31 =	sshll.u32 s1, $0xD;
	s1 =	sshrl.u32 s1, $0x2  }
0xbf: {  	s3 =	sand.u32 $0x4000, s31;
	s1 =	sadd.s32 s1, s30  }
0xc0: {  	s0 =	sor.u32 s3, s0;
	s1 =	sshll.u32 s1, $0x11  }
0xc1: {  	s0 =	sor.u32 s1, s0  }
0xc2: {  	s0 =	sadd.s32 $0x8F2B, s0  }
0xc3: {  	[sflag:s0] =	ssyncadd.remote.s32 $0x1  }
0xc4: {  	_ =	sfence.sel $0xFFFF  }
0xc5: {  	[dreg:$0x0] =	wrdreg $0xFFFFFFFF;
	(pc) =	sbr.abs _section_cstart, $3  }
0xc6: {  	[dreg:$0x1] =	wrdreg $0xFFFFFFFF  }
0xc7: {  	_ =	task.clear_ibuf [dreg:s7], $0x2FFFF;
	_ =	strace $0x9FFFFFFF  }
0xc8: {  	(tm) =	ssettm $0x7FFFFFFF  }
0xc9: {  	_ =	shalt  }
tec
execute0_lowered:
.L_overlay_start_1:
0x0: {  	(tag) =	ssettag $0x1  }
0x1: {  	s4 =	rddreg [dreg:$0x0]  }
0x2: {  	s1 =	srdreg.scid;
	s0 =	stileid.u32  }
0x3: {  	s5 =	rddreg [dreg:$0x1];
	s2 =	simm.s32 $0x0;
	s10 =	simm.s32 $0x1080  }
0x4: {  	s11 =	simm.s32 $0x1880;
	s12 =	simm.s32 $0x2080;
	s13 =	simm.s32 $0x2880  }
0x5: {  	s14 =	simm.s32 $0x3080;
	s15 =	simm.s32 $0x3880;
	s16 =	simm.s32 $0x4080  }
0x6: {  	s17 =	simm.s32 $0x1;
	s3 =	sand.u32 $0x1, s1;
	s6 =	sshll.u32 s0, $0x1  }
0x7: {  	s18 =	simm.s32 $0x2;
	s1 =	rddreg [dreg:$0x2];
	s6 =	sor.u32 s3, s6  }
0x8: {  	[smem:$0x7FF] =	sst s2;
	s8 =	ssub.s32 $0x2, s3;
	s7 =	smul.u32 $0x9, s6  }
0x9: {  	_ =	strace $0x8000004A;
	s9 =	sshrl.u32 s8, $0x1;
	s6 =	smul.u32 $0x900, s6  }
0xa: {  	v2 =	vlaneseq.u32;
	s3 =	sadd.s32 $0x4200, s4;
	s31 =	ssub.s32 s8, s9;
	s8 =	simm.s32 $0x80  }
0xb: {  	vm0 =	vmmov $0xffff;
	v1 =	vshrl.u32 v2, $0x3;
	s9 =	simm.s32 $0x880;
	s4 =	sadd.s32 s7, s4;
	s5 =	sadd.s32 s5, s6  }
0xc: {  	v0 =	vand.u32 $0x7, v2;
	v2 =	vor.u32 $0x8, v2;
	v1 =	vmul.u32 $0x8, v1;
	s6 =	smax.u32 s31, $0x1;
	s7 =	simm.s32 $0x3;
	s4 =	sadd.s32 $0x4000, s4  }
.LBB2_1:
0xd: {  	[tilespmem:s2], [sflag:$0x3] =	stream.linear.gather [hbm4b:s4+s2], $0x48, $0x38;
	[tilespmem:$0x4880] =	vst v63  }
0xe: {  	_ =	swait.ge [sflag:s7], $0x48  }
0xf: {  	[sflag:s7] =	ssyncset.done $0x0  }
0x10: {  	[sflag:s7] =	ssyncadd.s32 $0xFFFFFFB8  }
0x11: {  	v3 =	vld [tilespmem:$0x0];
	_ =	sdelay $0x4  }
0x12: {  	v4 =	vshll.u32 v3, $0x1  }
0x13: {  	v3 =	vand.u32 $0x7, v3;
	v4 =	vand.u32 $0xFFFFFFF0, v4  }
0x14: {  	v3 =	vor.u32 v3, v4  }
0x15: {  	v4 =	vperm.xlane v3, v0;
	_ =	sdelay $0x1  }
0x16: {  	v3 =	vperm.xlane v3, v2;
	v4 =	vadd.s32 v1, v4;
	_ =	sdelay $0x1  }
0x17: {  	v3 =	vadd.s32 v1, v3;
	_ =	sdelay $0x2  }
0x18: {  	[tilespmem:s8], [sflag:$0x1] =	stream.indirect_vreg.gather [hbm4b:s3+s2], $0x80, v4, vm0, $0xb8;
	[tilespmem:$0x4880] =	vst v63  }
0x19: {  	_ = 	snop  }
0x1a: {  	[tilespmem:s9], [sflag:$0x1] =	stream.indirect_vreg.gather [hbm4b:s3+s2], $0x80, v3, vm0, $0xb8;
	[tilespmem:$0x4880] =	vst v63  }
0x1b: {  	v3 =	vld [tilespmem:$0x10];
	_ =	sdelay $0x4  }
0x1c: {  	v60 =	vshll.u32 v3, $0x1  }
0x1d: {  	v3 =	vand.u32 $0x7, v3;
	v4 =	vand.u32 $0xFFFFFFF0, v60  }
0x1e: {  	v3 =	vor.u32 v3, v4  }
0x1f: {  	v4 =	vperm.xlane v3, v0;
	_ =	sdelay $0x1  }
0x20: {  	v3 =	vperm.xlane v3, v2;
	v4 =	vadd.s32 v1, v4;
	_ =	sdelay $0x1  }
0x21: {  	v3 =	vadd.s32 v1, v3;
	_ =	sdelay $0x2  }
0x22: {  	[tilespmem:s10], [sflag:$0x1] =	stream.indirect_vreg.gather [hbm4b:s3+s2], $0x80, v4, vm0, $0xb8;
	[tilespmem:$0x4880] =	vst v63  }
0x23: {  	_ = 	snop  }
0x24: {  	[tilespmem:s11], [sflag:$0x1] =	stream.indirect_vreg.gather [hbm4b:s3+s2], $0x80, v3, vm0, $0xb8;
	[tilespmem:$0x4880] =	vst v63  }
0x25: {  	v3 =	vld.msk [tilespmem:$0x20], $0xff;
	_ =	sdelay $0x4  }
0x26: {  	v61 =	vshll.u32 v3, $0x1  }
0x27: {  	v3 =	vand.u32 $0x7, v3;
	v4 =	vand.u32 $0xFFFFFFF0, v61  }
0x28: {  	v3 =	vor.u32 v3, v4  }
0x29: {  	v3 =	vperm.xlane v3, v0;
	_ =	sdelay $0x1  }
0x2a: {  	v3 =	vadd.s32 v1, v3;
	_ =	sdelay $0x4  }
0x2b: {  	[tilespmem:s12], [sflag:$0x1] =	stream.indirect_vreg.gather [hbm4b:s3+s2], $0x80, v3, vm0, $0xb8;
	[tilespmem:$0x4880] =	vst v63  }
0x2c: {  	v3 =	vld [tilespmem:$0x28];
	_ =	sdelay $0x4  }
0x2d: {  	v62 =	vshll.u32 v3, $0x1  }
0x2e: {  	v3 =	vand.u32 $0x7, v3;
	v4 =	vand.u32 $0xFFFFFFF0, v62  }
0x2f: {  	v3 =	vor.u32 v3, v4  }
0x30: {  	v4 =	vperm.xlane v3, v0;
	_ =	sdelay $0x1  }
0x31: {  	v3 =	vperm.xlane v3, v2;
	v4 =	vadd.s32 v1, v4;
	_ =	sdelay $0x1  }
0x32: {  	v3 =	vadd.s32 v1, v3;
	_ =	sdelay $0x2  }
0x33: {  	[tilespmem:s13], [sflag:$0x2] =	stream.indirect_vreg.gather [hbm4b:s3+s2], $0x80, v4, vm0, $0xb8;
	[tilespmem:$0x4880] =	vst v63  }
0x34: {  	_ = 	snop  }
0x35: {  	[tilespmem:s14], [sflag:$0x2] =	stream.indirect_vreg.gather [hbm4b:s3+s2], $0x80, v3, vm0, $0xb8;
	[tilespmem:$0x4880] =	vst v63  }
0x36: {  	v3 =	vld [tilespmem:$0x38];
	_ =	sdelay $0x4  }
0x37: {  	v63 =	vshll.u32 v3, $0x1  }
0x38: {  	v3 =	vand.u32 $0x7, v3;
	v4 =	vand.u32 $0xFFFFFFF0, v63  }
0x39: {  	v3 =	vor.u32 v3, v4  }
0x3a: {  	v4 =	vperm.xlane v3, v0;
	_ =	sdelay $0x1  }
0x3b: {  	v3 =	vperm.xlane v3, v2;
	v4 =	vadd.s32 v1, v4;
	_ =	sdelay $0x1  }
0x3c: {  	v3 =	vadd.s32 v1, v3;
	_ =	sdelay $0x2  }
0x3d: {  	[tilespmem:s15], [sflag:$0x2] =	stream.indirect_vreg.gather [hbm4b:s3+s2], $0x80, v4, vm0, $0xb8;
	[tilespmem:$0x4880] =	vst v63  }
0x3e: {  	_ = 	snop  }
0x3f: {  	[tilespmem:s16], [sflag:$0x2] =	stream.indirect_vreg.gather [hbm4b:s3+s2], $0x80, v3, vm0, $0xb8;
	[tilespmem:$0x4880] =	vst v63  }
0x40: {  	_ =	swait.ge [sflag:s17], $0x2800  }
0x41: {  	[sflag:s17] =	ssyncset.done $0x0  }
0x42: {  	[sflag:s17] =	ssyncadd.s32 $0xFFFFD800  }
0x43: {  	_ =	swait.ge [sflag:s18], $0x2000  }
0x44: {  	p0 =	sne.s32 s6, $0x1;
	[sflag:s18] =	ssyncset.done $0x0  }
.Ltmp0:
0x45: {  	[sflag:s18] =	ssyncadd.s32 $0xFFFFE000;
	(pc) =	sbr.rel @p0 .LBB2_1-.Ltmp0, $4  }
0x46: {  	[hbm4b:s5+s2] =	stream.linear.scatter [tilespmem:s8], [sflag:$0x3], $0x4800, $0x38;
	[tilespmem:$0x4880] =	vst v63  }
0x47: {  	_ =	swait.ge [sflag:s7], $0x4800  }
0x48: {  	[sflag:s7] =	ssyncset.done $0x0  }
0x49: {  	s6 =	sadd.s32 $0xFFFFFFFF, s6;
	[sflag:s7] =	ssyncadd.s32 $0xFFFFB800  }
0x4a: {  	_ =	sfence.sel $0x180000  }
0x4b: {  	[bflag:$0x0] =	sbarrier.arrive $0xFFFF  }
0x4c: {  	p0 =	sne.s32 s0, $0x0;
	_ =	strace $0x9000004A  }
0x4d: {  	s0 =	sadd.s32 @!p0 $0x100000, s1;
	[bflag:$0x2] =	sbarrier.arrive $0xFFFF  }
0x4e: {  	[sflag:s0] =	ssyncadd.tile.s32 @!p0 $0x1;
	_ =	shalt  }
.Lfunc_end2:
_tile_overlayer_lowered:
.L_overlay_start_2:
0x4f: {  	(tag) =	ssettag $0x2  }
0x50: {  	s0 =	rddreg [dreg:$0x0];
	s2 =	stileid.u32  }
0x51: {  	s1 =	rddreg [dreg:$0x1];
	p0 =	sne.s32 s2, $0x0  }
0x52: {  	s3 =	rddreg [dreg:$0x2];
	[bflag:$0x3] =	sbarrier.arrive $0xFFFF;
	s2 =	simm.s32 @!p0 $0x1C03  }
0x53: {  	[timem:s3], [sflag:s2] =	dma.local @!p0 [hbm:s0], s1  }
0x54: {  	s0 =	simm.s32 @!p0 $0x3  }
0x55: {  	_ =	swait.ge @!p0 [sflag:s0], s1  }
0x56: {  	s1 =	ssub.s32 @!p0 $0x0, s1;
	[sflag:s0] =	ssyncset.done @!p0 $0x0  }
0x57: {  	[sflag:s0] =	ssyncadd.s32 @!p0 s1  }
0x58: {  	[bflag:$0x3] =	sbarrier.arrive $0xFFFF  }
0x59: {  	_ =	shalt  }

// kernel: kernel.7.cloned.1.call-start
scs
__scs_entry_jumppad:
0x0: {  	(pc) =	sbr.rel $0x88, $3  }
0x1: {  	(tag) =	ssettag $0x0;
	lr =	simm.s32 $0x1  }
0x2: {  	[smem:$0x3F91] =	sst lr;
	_ =	strace $0xD0000000  }
0x3: {  	_ = 	snop  }
0x4: {  	_ = 	snop  }
0x5: {  	_ = 	snop  }
0x6: {  	_ = 	snop  }
0x7: {  	_ = 	snop  }
__scs_overlays_trampoline_lowered:
0x8: {  	[smem:$0x3FA0] =	sst s0  }
0x9: {  	[smem:$0x3FA1] =	sst s1  }
0xa: {  	[smem:$0x3FA2] =	sst s2  }
0xb: {  	[smem:$0x3FA3] =	sst s3  }
0xc: {  	[smem:$0x3FA4] =	sst s4  }
0xd: {  	[smem:$0x3FA5] =	sst s5  }
0xe: {  	[smem:$0x3FA6] =	sst s6  }
0xf: {  	[smem:$0x3FA7] =	sst s7  }
0x10: {  	[smem:$0x3FA8] =	sst s8  }
0x11: {  	[smem:$0x3FA9] =	sst s9;
	s0 =	simm.s32 @!p0 $0x0  }
0x12: {  	s1 =	sld [smem:$0x3F8F];
	s0 =	simm.s32 @p0 $0x1  }
0x13: {  	[smem:$0x3FAA] =	sst s0;
	s0 =	simm.s32 @!p1 $0x0  }
0x14: {  	s2 =	sld [smem:$0x3F8E];
	s0 =	simm.s32 @p1 $0x1  }
0x15: {  	[smem:$0x3FAB] =	sst s0;
	s0 =	simm.s32 @!p2 $0x0  }
0x16: {  	s3 =	sld [smem:$0x3FDB];
	s0 =	simm.s32 @p2 $0x1  }
0x17: {  	s4 =	simm.s32 $0x1BF5;
	[smem:$0x3FAD] =	sst s0  }
0x18: {  	s0 =	sld [smem:$0x3F90];
	_ =	swait.ge [sflag:s4], $0x0  }
0x19: {  	s7 =	sld [smem:$0x3F91]  }
0x1a: {  	s8 =	sadd.s32 $0xFFFFE003, lr  }
0x1b: {  	s9 =	sadd.s32 $0xFFFFFEF7, lr;
	s5 =	simm.s32 $0xFFFFFFFF;
	p2 =	slt.u32 s8, $0xFFFFF086  }
0x1c: {  	p1 =	slt.u32 s9, $0xF7A;
	s5 =	simm.s32 @!p2 $0x0  }
0x1d: {  	s5 =	simm.s32 @p1 $0x1;
	p0 =	seq.s32 s7, s2  }
0x1e: {  	s7 =	smul.u32 @!p0 $0xF7A, s2;
	p2 =	seq.s32 @!p0 s5, $0x0  }
0x1f: {  	s9 =	smul.u32 $0xF7A, s1;
	s8 =	simm.s32 @!p0 $0x1BF5;
	p2 =	por !p2, p0  }
0x20: {  	[sflag:s8] =	ssyncset.s32 @!p0 $0xFFFFF086;
	s6 =	sadd.s32 @!p0 s3, s7;
	s7 =	simm.s32 @!p0 $0x108  }
0x21: {  	s3 =	sadd.s32 s3, s9;
	s6 =	sadd.s32 @!p0 $0x88, s6;
	s7 =	simm.s32 @p2 $0x1082  }
0x22: {  	[simem:s7], [sflag:s8] =	dma.local @!p0 [hbm:s6], $0xF7A  }
0x23: {  	s9 =	sor.u32 $0xD0000000, s2;
	s6 =	simm.s32 $0x108;
	_ =	swait.ge @!p0 [sflag:s8], $0x0  }
0x24: {  	s3 =	sadd.s32 $0x88, s3;
	s6 =	simm.s32 @!p1 $0x1082;
	[sflag:s4] =	ssyncset.s32 $0xFFFFF086  }
0x25: {  	[simem:s6], [sflag:s4] =	dma.local [hbm:s3], $0xF7A  }
0x26: {  	[smem:$0x3F91] =	sst s1;
	(tag) =	ssettag s2;
	_ =	strace s9  }
0x27: {  	s1 =	sld [smem:$0x3FA1]  }
0x28: {  	s2 =	sld [smem:$0x3FA2]  }
0x29: {  	s4 =	sld [smem:$0x3FA4]  }
0x2a: {  	p0 =	seq.s32 s5, $0x0;
	s5 =	sld [smem:$0x3FA5]  }
0x2b: {  	s6 =	sld [smem:$0x3FA6]  }
0x2c: {  	s7 =	sld [smem:$0x3FA7]  }
0x2d: {  	s3 =	simm.s32 $0x108;
	s8 =	sld [smem:$0x3FA8]  }
0x2e: {  	s3 =	simm.s32 @!p0 $0x1082;
	s9 =	sld [smem:$0x3FA9]  }
0x2f: {  	lr =	sadd.s32 s0, s3;
	s0 =	sld [smem:$0x3FA0]  }
0x30: {  	s3 =	sld [smem:$0x3FA3]  }
0x31: {  	[smem:$0x3FAC] =	sst s10  }
0x32: {  	s10 =	sld [smem:$0x3FAA];
	_ =	sdelay $0x3  }
0x33: {  	p0 =	seq.s32 s10, $0x1;
	s10 =	sld [smem:$0x3FAC];
	_ =	sdelay $0x3  }
0x34: {  	[smem:$0x3FAC] =	sst s10  }
0x35: {  	s10 =	sld [smem:$0x3FAB];
	_ =	sdelay $0x3  }
0x36: {  	p1 =	seq.s32 s10, $0x1;
	s10 =	sld [smem:$0x3FAC];
	_ =	sdelay $0x3  }
0x37: {  	[smem:$0x3FAC] =	sst s10  }
0x38: {  	s10 =	sld [smem:$0x3FAD]  }
0x39: {  	_ = 	snop;
	(pc) =	sbr.ind lr, $3  }
0x3a: {  	_ = 	snop  }
0x3b: {  	_ = 	snop  }
0x3c: {  	p2 =	seq.s32 s10, $0x1;
	s10 =	sld [smem:$0x3FAC]  }
0x3d: {  	_ =	shalt  }
0x3e: {  	_ =	shalt  }
0x3f: {  	_ =	shalt  }
0x40: {  	_ =	shalt  }
0x41: {  	_ =	shalt  }
0x42: {  	_ =	shalt  }
0x43: {  	_ =	shalt  }
0x44: {  	_ =	shalt  }
0x45: {  	_ =	shalt  }
0x46: {  	_ =	shalt  }
0x47: {  	_ =	shalt  }
0x48: {  	_ =	shalt  }
0x49: {  	_ =	shalt  }
0x4a: {  	_ =	shalt  }
0x4b: {  	_ =	shalt  }
0x4c: {  	_ =	shalt  }
0x4d: {  	_ =	shalt  }
0x4e: {  	_ =	shalt  }
0x4f: {  	_ =	shalt  }
0x50: {  	_ =	shalt  }
0x51: {  	_ =	shalt  }
0x52: {  	_ =	shalt  }
0x53: {  	_ =	shalt  }
0x54: {  	_ =	shalt  }
0x55: {  	_ =	shalt  }
0x56: {  	_ =	shalt  }
0x57: {  	_ =	shalt  }
0x58: {  	_ =	shalt  }
0x59: {  	_ =	shalt  }
0x5a: {  	_ =	shalt  }
0x5b: {  	_ =	shalt  }
0x5c: {  	_ =	shalt  }
0x5d: {  	_ =	shalt  }
0x5e: {  	_ =	shalt  }
0x5f: {  	_ =	shalt  }
0x60: {  	_ =	shalt  }
0x61: {  	_ =	shalt  }
0x62: {  	_ =	shalt  }
0x63: {  	_ =	shalt  }
0x64: {  	_ =	shalt  }
0x65: {  	_ =	shalt  }
0x66: {  	_ =	shalt  }
0x67: {  	_ =	shalt  }
0x68: {  	_ =	shalt  }
0x69: {  	_ =	shalt  }
0x6a: {  	_ =	shalt  }
0x6b: {  	_ =	shalt  }
0x6c: {  	_ =	shalt  }
0x6d: {  	_ =	shalt  }
0x6e: {  	_ =	shalt  }
0x6f: {  	_ =	shalt  }
0x70: {  	_ =	shalt  }
0x71: {  	_ =	shalt  }
0x72: {  	_ =	shalt  }
0x73: {  	_ =	shalt  }
0x74: {  	_ =	shalt  }
0x75: {  	_ =	shalt  }
0x76: {  	_ =	shalt  }
0x77: {  	_ =	shalt  }
0x78: {  	_ =	shalt  }
0x79: {  	_ =	shalt  }
0x7a: {  	_ =	shalt  }
0x7b: {  	_ =	shalt  }
0x7c: {  	_ =	shalt  }
0x7d: {  	_ =	shalt  }
0x7e: {  	_ =	shalt  }
0x7f: {  	_ =	shalt  }
0x80: {  	_ =	shalt  }
0x81: {  	_ =	shalt  }
0x82: {  	_ =	shalt  }
0x83: {  	_ =	shalt  }
0x84: {  	_ =	shalt  }
0x85: {  	_ =	shalt  }
0x86: {  	_ =	shalt  }
0x87: {  	_ =	shalt  }
.Lfunc_end0:
.L_simem_size_0:
called_computation_lowered:
.L_overlay_start_0:
0x88: {  	s2 =	sld [smem:$0x3FD9]  }
0x89: {  	s3 =	sld [smem:$0x3FFE];
	_ =	sdelay $0x1  }
0x8a: {  	s1 =	srdreg.scid  }
0x8b: {  	s0 =	sand.u32 $0x1, s1  }
0x8c: {  	s14 =	sshll.u32 s0, $0xA;
	s2 =	sadd.s32 s3, s2  }
0x8d: {  	s2 =	sadd.s32 s2, s14  }
0x8e: {  	[smem:$0x3FB8] =	sst s2  }
0x8f: {  	_ = 	snop  }
0x90: {  	s2 =	sld [smem:$0x3FD0];
	_ =	sdelay $0x2  }
0x91: {  	s15 =	simm.s32 $0xA;
	s4 =	simm.s32 $0x10  }
0x92: {  	[smem:s4], [sflag:s15] =	dma.local [hbm:s2], $0x1  }
0x93: {  	_ =	swait.eq [sflag:s15], $0x1  }
0x94: {  	[sflag:s15] =	ssyncset.done $0x0  }
0x95: {  	[sflag:s15] =	ssyncadd.s32 $0xFFFFFFFF  }
0x96: {  	s16 =	sld [smem:$0x10];
	(tm) =	ssettm $0x1  }
0x97: {  	s17 =	sld [smem:$0x3FFB];
	_ =	sdelay $0x3  }
0x98: {  	_ =	strace s17  }
0x99: {  	s3 =	sld [smem:$0x3FFC];
	_ =	sdelay $0x3  }
0x9a: {  	_ =	strace s3  }
0x9b: {  	s3 =	sld [smem:$0x3FFD];
	_ =	sdelay $0x3  }
0x9c: {  	_ =	strace s3  }
0x9d: {  	_ =	strace $0x8FFFFFFF  }
0x9e: {  	s18 =	sld [smem:$0x3FDB];
	_ =	sdelay $0x1  }
0x9f: {  	s19 =	simm.s32 $_scs_section_size  }
0xa0: {  	s5 =	simm.s32 $_size__tile_overlayer_lowered;
	s6 =	simm.s32 $_tile_overlayer_lowered  }
0xa1: {  	s22 =	simm.s32 $0x1BFF;
	s21 =	sshll.u32 s6, $0x1;
	s3 =	sadd.s32 s19, s18  }
0xa2: {  	s7 =	simm.s32 $0x0;
	s20 =	sshll.u32 s5, $0x1;
	s5 =	sadd.s32 s21, s3  }
0xa3: {  	[timem:s7], [sflag:s22] =	dma.local [hbm:s5], s20  }
0xa4: {  	_ =	swait.ge [sflag:s22], s20  }
0xa5: {  	s4 =	ssub.s32 $0x0, s20;
	[sflag:s22] =	ssyncset.done $0x0  }
0xa6: {  	[sflag:s22] =	ssyncadd.s32 s4;
	_ =	sdelay $0x1  }
0xa7: {  	s23 =	simm.s32 $0x1B8B  }
0xa8: {  	_ =	swait.ge [sflag:s23], $0x1  }
0xa9: {  	[sflag:s23] =	ssyncset.done $0x0  }
0xaa: {  	s25 =	simm.s32 $0x1B8E;
	s24 =	sld [smem:$0x3FFE];
	[sflag:s23] =	ssyncadd.s32 $0xFFFFFFFF  }
0xab: {  	s26 =	simm.s32 $execute0_lowered;
	[smem:$0x3FD2] =	sst s25  }
0xac: {  	s5 =	sshll.u32 s26, $0x1;
	_ =	strace $0x80000046;
	[dreg:$0x1] =	wrdreg $0xFFFFFFFF  }
0xad: {  	s28 =	simm.s32 $_size_execute0_lowered;
	s3 =	sadd.s32 s3, s5;
	[dreg:$0x0] =	wrdreg $0x0  }
0xae: {  	s5 =	sshll.u32 s28, $0x1;
	[dreg:$0x2] =	wrdreg s3  }
0xaf: {  	[dreg:$0x3] =	wrdreg s5  }
0xb0: {  	[dreg:$0x4] =	wrdreg $0xC0  }
0xb1: {  	_ =	task [dreg:s7], $0x5FFFF  }
0xb2: {  	[dreg:$0x1] =	wrdreg $0xFFFFFFFF  }
0xb3: {  	[dreg:$0x0] =	wrdreg $0x60  }
0xb4: {  	[dreg:$0x2] =	wrdreg s16  }
0xb5: {  	[dreg:$0x3] =	wrdreg s24  }
0xb6: {  	[dreg:$0x4] =	wrdreg $0x9  }
0xb7: {  	_ =	task.clear_ibuf [dreg:s7], $0x5FFFF;
	_ =	strace $0x90000046  }
0xb8: {  	s29 =	simm.s32 $0x9;
	_ =	strace $0x80000048  }
0xb9: {  	_ =	swait.ge [sflag:s29], $0x1  }
0xba: {  	[sflag:s29] =	ssyncadd.s32 $0xFFFFFFFF  }
0xbb: {  	_ =	strace $0x90000048  }
0xbc: {  	_ =	sfence  }
0xbd: {  	s30 =	sld [smem:$0x0];
	_ =	sdelay $0x2  }
0xbe: {  	s31 =	sshll.u32 s1, $0xD;
	s1 =	sshrl.u32 s1, $0x2  }
0xbf: {  	s3 =	sand.u32 $0x4000, s31;
	s1 =	sadd.s32 s1, s30  }
0xc0: {  	s0 =	sor.u32 s3, s0;
	s1 =	sshll.u32 s1, $0x11  }
0xc1: {  	s0 =	sor.u32 s1, s0  }
0xc2: {  	s0 =	sadd.s32 $0x8F2B, s0  }
0xc3: {  	[sflag:s0] =	ssyncadd.remote.s32 $0x1  }
0xc4: {  	_ =	sfence.sel $0xFFFF  }
0xc5: {  	[dreg:$0x0] =	wrdreg $0xFFFFFFFF;
	(pc) =	sbr.abs _section_cstart, $3  }
0xc6: {  	[dreg:$0x1] =	wrdreg $0xFFFFFFFF  }
0xc7: {  	_ =	task.clear_ibuf [dreg:s7], $0x2FFFF;
	_ =	strace $0x9FFFFFFF  }
0xc8: {  	(tm) =	ssettm $0x7FFFFFFF  }
0xc9: {  	_ =	shalt  }
tec
execute0_lowered:
.L_overlay_start_1:
0x0: {  	(tag) =	ssettag $0x1  }
0x1: {  	s5 =	rddreg [dreg:$0x0];
	s1 =	srdreg.scid  }
0x2: {  	s0 =	stileid.u32;
	s3 =	rddreg [dreg:$0x1];
	s2 =	simm.s32 $0x0  }
0x3: {  	s9 =	simm.s32 $0x2;
	s10 =	simm.s32 $0x880;
	s11 =	simm.s32 $0x1080  }
0x4: {  	s12 =	simm.s32 $0x1880;
	s13 =	simm.s32 $0x2080;
	s14 =	simm.s32 $0x2880  }
0x5: {  	s15 =	simm.s32 $0x3080;
	s4 =	sand.u32 $0x1, s1;
	s6 =	sshll.u32 s0, $0x1  }
0x6: {  	s16 =	simm.s32 $0x3880;
	s17 =	simm.s32 $0x4080;
	s6 =	sor.u32 s4, s6  }
0x7: {  	s1 =	rddreg [dreg:$0x2];
	s4 =	ssub.s32 $0x2, s4;
	s7 =	smul.u32 $0x9, s6  }
0x8: {  	[smem:$0x7FF] =	sst s2;
	s6 =	smul.u32 $0x900, s6;
	s8 =	sshrl.u32 s4, $0x1  }
0x9: {  	v2 =	vlaneseq.u32;
	_ =	strace $0x80000047;
	s8 =	ssub.s32 s4, s8;
	s7 =	sadd.s32 s7, s3  }
0xa: {  	vm0 =	vmmov $0xffff;
	v1 =	vshrl.u32 v2, $0x3;
	s3 =	sadd.s32 $0x4200, s3;
	s5 =	sadd.s32 s5, s6;
	s6 =	smax.u32 s8, $0x1  }
0xb: {  	v0 =	vand.u32 $0x7, v2;
	v2 =	vor.u32 $0x8, v2;
	v1 =	vmul.u32 $0x8, v1;
	s8 =	simm.s32 $0x1;
	s4 =	sadd.s32 $0x4000, s7;
	s7 =	simm.s32 $0x80  }
.LBB2_1:
0xc: {  	[tilespmem:s2], [sflag:$0x1] =	stream.linear.gather [hbm4b:s4+s2], $0x48, $0x38;
	[tilespmem:$0x4880] =	vst v63  }
0xd: {  	_ = 	snop  }
0xe: {  	[tilespmem:s7], [sflag:$0x2] =	stream.linear.gather [hbm4b:s5+s2], $0x4800, $0x38;
	[tilespmem:$0x4880] =	vst v63  }
0xf: {  	_ =	swait.ge [sflag:s8], $0x48  }
0x10: {  	[sflag:s8] =	ssyncset.done $0x0  }
0x11: {  	[sflag:s8] =	ssyncadd.s32 $0xFFFFFFB8  }
0x12: {  	_ =	swait.ge [sflag:s9], $0x4800  }
0x13: {  	[sflag:s9] =	ssyncset.done $0x0  }
0x14: {  	[sflag:s9] =	ssyncadd.s32 $0xFFFFB800  }
0x15: {  	v3 =	vld [tilespmem:$0x0];
	_ =	sdelay $0x4  }
0x16: {  	v4 =	vshll.u32 v3, $0x1  }
0x17: {  	v3 =	vand.u32 $0x7, v3;
	v4 =	vand.u32 $0xFFFFFFF0, v4  }
0x18: {  	v3 =	vor.u32 v3, v4  }
0x19: {  	v4 =	vperm.xlane v3, v0;
	_ =	sdelay $0x1  }
0x1a: {  	v3 =	vperm.xlane v3, v2;
	v4 =	vadd.s32 v1, v4;
	_ =	sdelay $0x1  }
0x1b: {  	v3 =	vadd.s32 v1, v3;
	_ =	sdelay $0x2  }
0x1c: {  	[hbm4b:s3+s2] =	stream.indirect_vreg.scatter [tilespmem:s7], [sflag:$0x1], $0x80, v4, vm0, $0xb8;
	[tilespmem:$0x4880] =	vst v63  }
0x1d: {  	_ = 	snop  }
0x1e: {  	[hbm4b:s3+s2] =	stream.indirect_vreg.scatter [tilespmem:s10], [sflag:$0x1], $0x80, v3, vm0, $0xb8;
	[tilespmem:$0x4880] =	vst v63  }
0x1f: {  	v3 =	vld [tilespmem:$0x10];
	_ =	sdelay $0x4  }
0x20: {  	v60 =	vshll.u32 v3, $0x1  }
0x21: {  	v3 =	vand.u32 $0x7, v3;
	v4 =	vand.u32 $0xFFFFFFF0, v60  }
0x22: {  	v3 =	vor.u32 v3, v4  }
0x23: {  	v4 =	vperm.xlane v3, v0;
	_ =	sdelay $0x1  }
0x24: {  	v3 =	vperm.xlane v3, v2;
	v4 =	vadd.s32 v1, v4;
	_ =	sdelay $0x1  }
0x25: {  	v3 =	vadd.s32 v1, v3;
	_ =	sdelay $0x2  }
0x26: {  	[hbm4b:s3+s2] =	stream.indirect_vreg.scatter [tilespmem:s11], [sflag:$0x1], $0x80, v4, vm0, $0xb8;
	[tilespmem:$0x4880] =	vst v63  }
0x27: {  	_ = 	snop  }
0x28: {  	[hbm4b:s3+s2] =	stream.indirect_vreg.scatter [tilespmem:s12], [sflag:$0x1], $0x80, v3, vm0, $0xb8;
	[tilespmem:$0x4880] =	vst v63  }
0x29: {  	v3 =	vld [tilespmem:$0x20];
	_ =	sdelay $0x4  }
0x2a: {  	v61 =	vshll.u32 v3, $0x1  }
0x2b: {  	v3 =	vand.u32 $0x7, v3;
	v4 =	vand.u32 $0xFFFFFFF0, v61  }
0x2c: {  	v3 =	vor.u32 v3, v4  }
0x2d: {  	v4 =	vperm.xlane v3, v0;
	_ =	sdelay $0x1  }
0x2e: {  	v3 =	vperm.xlane v3, v2;
	v4 =	vadd.s32 v1, v4;
	_ =	sdelay $0x1  }
0x2f: {  	v3 =	vadd.s32 v1, v3;
	_ =	sdelay $0x2  }
0x30: {  	[hbm4b:s3+s2] =	stream.indirect_vreg.scatter [tilespmem:s13], [sflag:$0x1], $0x80, v4, vm0, $0xb8;
	[tilespmem:$0x4880] =	vst v63  }
0x31: {  	_ = 	snop  }
0x32: {  	[hbm4b:s3+s2] =	stream.indirect_vreg.scatter [tilespmem:s14], [sflag:$0x1], $0x80, v3, vm0, $0xb8;
	[tilespmem:$0x4880] =	vst v63  }
0x33: {  	v3 =	vld [tilespmem:$0x30];
	_ =	sdelay $0x4  }
0x34: {  	v62 =	vshll.u32 v3, $0x1  }
0x35: {  	v3 =	vand.u32 $0x7, v3;
	v4 =	vand.u32 $0xFFFFFFF0, v62  }
0x36: {  	v3 =	vor.u32 v3, v4  }
0x37: {  	v4 =	vperm.xlane v3, v0;
	_ =	sdelay $0x1  }
0x38: {  	v3 =	vperm.xlane v3, v2;
	v4 =	vadd.s32 v1, v4;
	_ =	sdelay $0x1  }
0x39: {  	v3 =	vadd.s32 v1, v3;
	_ =	sdelay $0x2  }
0x3a: {  	[hbm4b:s3+s2] =	stream.indirect_vreg.scatter [tilespmem:s15], [sflag:$0x1], $0x80, v4, vm0, $0xb8;
	[tilespmem:$0x4880] =	vst v63  }
0x3b: {  	_ = 	snop  }
0x3c: {  	[hbm4b:s3+s2] =	stream.indirect_vreg.scatter [tilespmem:s16], [sflag:$0x1], $0x80, v3, vm0, $0xb8;
	[tilespmem:$0x4880] =	vst v63  }
0x3d: {  	v3 =	vld.msk [tilespmem:$0x40], $0xff;
	_ =	sdelay $0x4  }
0x3e: {  	v63 =	vshll.u32 v3, $0x1  }
0x3f: {  	v3 =	vand.u32 $0x7, v3;
	v4 =	vand.u32 $0xFFFFFFF0, v63  }
0x40: {  	v3 =	vor.u32 v3, v4  }
0x41: {  	v3 =	vperm.xlane v3, v0;
	_ =	sdelay $0x1  }
0x42: {  	v3 =	vadd.s32 v1, v3;
	_ =	sdelay $0x2  }
0x43: {  	p0 =	sne.s32 s6, $0x1  }
.Ltmp0:
0x44: {  	_ = 	snop;
	(pc) =	sbr.rel @p0 .LBB2_1-.Ltmp0, $4  }
0x45: {  	[hbm4b:s3+s2] =	stream.indirect_vreg.scatter [tilespmem:s17], [sflag:$0x1], $0x80, v3, vm0, $0xb8;
	[tilespmem:$0x4880] =	vst v63  }
0x46: {  	_ =	swait.ge [sflag:s8], $0x4800  }
0x47: {  	[sflag:s8] =	ssyncset.done $0x0  }
0x48: {  	s6 =	sadd.s32 $0xFFFFFFFF, s6;
	[sflag:s8] =	ssyncadd.s32 $0xFFFFB800  }
0x49: {  	_ =	sfence.sel $0x180000  }
0x4a: {  	[bflag:$0x0] =	sbarrier.arrive $0xFFFF  }
0x4b: {  	p0 =	sne.s32 s0, $0x0;
	_ =	strace $0x90000047  }
0x4c: {  	s0 =	sadd.s32 @!p0 $0x100000, s1;
	[bflag:$0x2] =	sbarrier.arrive $0xFFFF  }
0x4d: {  	[sflag:s0] =	ssyncadd.tile.s32 @!p0 $0x1;
	_ =	shalt  }
.Lfunc_end2:
_tile_overlayer_lowered:
.L_overlay_start_2:
0x4e: {  	(tag) =	ssettag $0x2  }
0x4f: {  	s0 =	rddreg [dreg:$0x0];
	s2 =	stileid.u32  }
0x50: {  	s1 =	rddreg [dreg:$0x1];
	p0 =	sne.s32 s2, $0x0  }
0x51: {  	s3 =	rddreg [dreg:$0x2];
	[bflag:$0x3] =	sbarrier.arrive $0xFFFF;
	s2 =	simm.s32 @!p0 $0x1C03  }
0x52: {  	[timem:s3], [sflag:s2] =	dma.local @!p0 [hbm:s0], s1  }
0x53: {  	s0 =	simm.s32 @!p0 $0x3  }
0x54: {  	_ =	swait.ge @!p0 [sflag:s0], s1  }
0x55: {  	s1 =	ssub.s32 @!p0 $0x0, s1;
	[sflag:s0] =	ssyncset.done @!p0 $0x0  }
0x56: {  	[sflag:s0] =	ssyncadd.s32 @!p0 s1  }
0x57: {  	[bflag:$0x3] =	sbarrier.arrive $0xFFFF  }
0x58: {  	_ =	shalt  }

</sc_bundles>
